<compile_context>
chip_gen: v7x
topology: tpu7x:2x2x1
jax: 0.10.2.dev20260603
libtpu: 0.0.44.dev20260713+nightly
codegen_flags: <defaults>
</compile_context>

<pallas_src>
import functools

import jax
import jax.numpy as jnp
from jax import lax
from jax.experimental import pallas as pl
from jax.experimental.pallas import tpu as pltpu
from jax.experimental.pallas import tpu_sc as plsc

NC, NS = 2, 16
NW = NC * NS
B = 16384
D = 32
GRP = 128 // D
BPW = B // NW
CHUNK = 128
NCHUNK = BPW // CHUNK
RL = 4096
S = 131072
NB = S // RL


def _bf16_top(x):
    xi = lax.bitcast_convert_type(x, jnp.uint32)
    r = xi + jnp.uint32(0x7FFF) + ((xi >> 16) & jnp.uint32(1))
    return r & jnp.uint32(0xFFFF0000)


def _relayout_body(*refs):
    uo_ref, io_ref = refs[16], refs[17]
    for out_ref, blocks in ((uo_ref, refs[0:8]), (io_ref, refs[8:16])):
        lo = jnp.concatenate([b[...] for b in blocks[:4]], axis=0)
        hi = jnp.concatenate([b[...] for b in blocks[4:]], axis=0)
        w = _bf16_top(lo) | (_bf16_top(hi) >> 16)
        out_ref[...] = lax.bitcast_convert_type(w.T, jnp.float32)


def _tc_relayout(ut_t, it_t):
    nvb = (ut_t.shape[1] + RL - 1) // RL
    specs = [pl.BlockSpec(
                 (32, RL),
                 (lambda p: (lambda b: (0, jnp.minimum(p * NB + b, nvb - 1))))(p))
             for p in range(8)]
    return pl.pallas_call(
        _relayout_body,
        grid=(NB,),
        in_specs=specs + [pl.BlockSpec((32, RL), s.index_map) for s in specs],
        out_specs=[pl.BlockSpec((RL, 128), lambda b: (b, 0)),
                   pl.BlockSpec((RL, 128), lambda b: (b, 0))],
        out_shape=[jax.ShapeDtypeStruct((S, 128), jnp.float32),
                   jax.ShapeDtypeStruct((S, 128), jnp.float32)],
        compiler_params=pltpu.CompilerParams(
            dimension_semantics=(pltpu.PARALLEL,)),
    )(*([ut_t] * 8 + [it_t] * 8))


def _sc_gather(ut4, it4, u_idx4, i_idx4):
    mesh = plsc.VectorSubcoreMesh(core_axis_name="c", subcore_axis_name="s")

    @functools.partial(
        pl.kernel,
        mesh=mesh,
        out_type=[
            jax.ShapeDtypeStruct((B, 128), jnp.float32),
            jax.ShapeDtypeStruct((B, 128), jnp.float32),
        ],
        scratch_types=[
            pltpu.VMEM((NCHUNK, CHUNK), jnp.int32),
            pltpu.VMEM((NCHUNK, CHUNK), jnp.int32),
            pltpu.VMEM((4, CHUNK, 128), jnp.float32),
            pltpu.SemaphoreType.DMA,
            pltpu.SemaphoreType.DMA,
        ],
    )
    def gather_kernel(ut_hbm, it_hbm, ui_hbm, ii_hbm, u_out, i_out,
                      uidx_v, iidx_v, bufs, gsem, wsem):
        wid = lax.axis_index("s") * NC + lax.axis_index("c")
        base = wid * BPW
        pltpu.sync_copy(ui_hbm.at[wid], uidx_v)
        pltpu.sync_copy(ii_hbm.at[wid], iidx_v)
        for tab, idx, out in ((ut_hbm, uidx_v, u_out), (it_hbm, iidx_v, i_out)):
            gds = [pltpu.async_copy(tab.at[idx.at[c]], bufs.at[c], gsem)
                   for c in range(NCHUNK)]
            for g in gds:
                g.wait()
            wbs = [pltpu.async_copy(
                       bufs.at[c], out.at[pl.ds(base + c * CHUNK, CHUNK)], wsem)
                   for c in range(NCHUNK)]
            for w in wbs:
                w.wait()

    return gather_kernel(ut4, it4, u_idx4, i_idx4)


def _mlp_body(uw_ref, iw_ref, ur_ref, ir_ref,
              w1a_ref, w1b_ref, b1_ref, w2_ref, b2_ref, o_ref):
    blk = uw_ref.shape[0]
    ones = jnp.ones((1, 128), jnp.float32)
    urb = lax.dot_general(ur_ref[...], ones, (((1,), (0,)), ((), ())),
                          preferred_element_type=jnp.float32)
    irb = lax.dot_general(ir_ref[...], ones, (((1,), (0,)), ((), ())),
                          preferred_element_type=jnp.float32)
    group = (lax.broadcasted_iota(jnp.int32, (blk, 128), 1) // D
             ).astype(jnp.float32)
    uw = lax.bitcast_convert_type(uw_ref[...], jnp.uint32)
    iw = lax.bitcast_convert_type(iw_ref[...], jnp.uint32)
    uv = lax.bitcast_convert_type(
        jnp.where(urb >= 4.0, uw << 16, uw & jnp.uint32(0xFFFF0000)),
        jnp.float32)
    iv = lax.bitcast_convert_type(
        jnp.where(irb >= 4.0, iw << 16, iw & jnp.uint32(0xFFFF0000)),
        jnp.float32)
    upm = urb - 4.0 * jnp.floor(urb * 0.25)
    ipm = irb - 4.0 * jnp.floor(irb * 0.25)
    um = jnp.where(upm == group, uv, 0.0)
    im = jnp.where(ipm == group, iv, 0.0)
    h = lax.dot_general(um, w1a_ref[...], (((1,), (1,)), ((), ())),
                        preferred_element_type=jnp.float32)
    h = h + lax.dot_general(im, w1b_ref[...], (((1,), (1,)), ((), ())),
                            preferred_element_type=jnp.float32)
    h = jnp.maximum(h + b1_ref[...], 0.0)
    o_ref[...] = lax.dot_general(h, w2_ref[...], (((1,), (0,)), ((), ())),
                                 preferred_element_type=jnp.float32) + b2_ref[0]


def _tc_mlp(u_wide, i_wide, u_rem, i_rem, w1a, w1b, b1, W2, b2):
    blk = 2048
    grid = (B // blk,)
    return pl.pallas_call(
        _mlp_body,
        grid=grid,
        in_specs=[
            pl.BlockSpec((blk, 128), lambda b: (b, 0)),
            pl.BlockSpec((blk, 128), lambda b: (b, 0)),
            pl.BlockSpec((blk, 1), lambda b: (b, 0)),
            pl.BlockSpec((blk, 1), lambda b: (b, 0)),
            pl.BlockSpec((128, 128), lambda b: (0, 0)),
            pl.BlockSpec((128, 128), lambda b: (0, 0)),
            pl.BlockSpec((1, 128), lambda b: (0, 0)),
            pl.BlockSpec((128, 1), lambda b: (0, 0)),
            pl.BlockSpec(memory_space=pltpu.SMEM),
        ],
        out_specs=pl.BlockSpec((blk, 1), lambda b: (b, 0)),
        out_shape=jax.ShapeDtypeStruct((B, 1), jnp.float32),
    )(u_wide, i_wide, u_rem, i_rem, w1a, w1b, b1, W2, b2)


def kernel(user, item, user_table, item_table, W1, b1, W2, b2):
    user = user.astype(jnp.int32)
    item = item.astype(jnp.int32)
    ut4, it4 = _tc_relayout(user_table.T, item_table.T)
    u_idx4 = (user % S).reshape(NW, NCHUNK, CHUNK)
    i_idx4 = (item % S).reshape(NW, NCHUNK, CHUNK)
    u_wide, i_wide = _sc_gather(ut4, it4, u_idx4, i_idx4)
    w1a = jnp.tile(W1[:, :D], (1, GRP))
    w1b = jnp.tile(W1[:, D:], (1, GRP))
    out = _tc_mlp(u_wide, i_wide,
                  (user // S).astype(jnp.float32).reshape(B, 1),
                  (item // S).astype(jnp.float32).reshape(B, 1),
                  w1a, w1b,
                  b1.reshape(1, 128), W2.reshape(128, 1), b2)
    return out[:, 0]

# --- scband reference (transcript-rebuilt; emitter-appended) ---
"""Pipeline reference for scband-bprncf-24060406792590 (READ-ONLY COPY).

The authoritative reference and input builder live on the scoring server;
editing this copy changes nothing except your own understanding.
"""

import jax, jax.numpy as jnp
import numpy as np

NUM_USERS = 1000000
NUM_ITEMS = 1000000
EMB_DIM = 32
BATCH = 16384


def setup_inputs(seed: int = 0) -> dict:
    key = jax.random.key(seed)
    k_user, k_item, k_ue, k_ie, k_w1, k_b1, k_w2, k_b2 = jax.random.split(key, 8)
    user = jax.random.randint(k_user, (BATCH,), 0, NUM_USERS, dtype=jnp.int64 if jax.config.jax_enable_x64 else jnp.int32)
    item = jax.random.randint(k_item, (BATCH,), 0, NUM_ITEMS, dtype=jnp.int64 if jax.config.jax_enable_x64 else jnp.int32)
    user_table = jax.random.normal(k_ue, (NUM_USERS, EMB_DIM), dtype=jnp.float32)
    item_table = jax.random.normal(k_ie, (NUM_ITEMS, EMB_DIM), dtype=jnp.float32)
    # MLP: Linear(64 -> 128), ReLU, Linear(128 -> 1). Torch Linear stores W as [out, in].
    W1 = jax.random.normal(k_w1, (128, EMB_DIM * 2), dtype=jnp.float32) * (1.0 / np.sqrt(EMB_DIM * 2))
    b1 = jax.random.normal(k_b1, (128,), dtype=jnp.float32) * 0.01
    W2 = jax.random.normal(k_w2, (1, 128), dtype=jnp.float32) * (1.0 / np.sqrt(128))
    b2 = jax.random.normal(k_b2, (1,), dtype=jnp.float32) * 0.01
    return {"user": user, "item": item, "user_table": user_table, "item_table": item_table,
            "W1": W1, "b1": b1, "W2": W2, "b2": b2}


def reference(user, item, user_table, item_table, W1, b1, W2, b2):
    u = jnp.take(user_table, user, axis=0)          # [B, 32]
    i = jnp.take(item_table, item, axis=0)          # [B, 32]
    x = jnp.concatenate([u, i], axis=1)             # [B, 64]
    h = jnp.maximum(x @ W1.T + b1, 0.0)             # [B, 128]
    out = h @ W2.T + b2                             # [B, 1]
    return jnp.squeeze(out, axis=-1)                # [B]

if __name__ == "__main__":
    import jax
    _d = setup_inputs()
    print(jax.jit(kernel)(*tuple(_d.values())))

</pallas_src>

<mosaic_0001>
#map = affine_map<(d0, d1) -> (0, 0)>
#map1 = affine_map<(d0, d1) -> (0, 0, 0)>
module attributes {stable_mosaic.version = 14 : i64} {
  func.func @gather_kernel(%arg0: i32, %arg1: i32, %arg2: memref<131072x128xf32, #tpu.memory_space<hbm>>, %arg3: memref<131072x128xf32, #tpu.memory_space<hbm>>, %arg4: memref<32x4x128xi32, #tpu.memory_space<hbm>>, %arg5: memref<32x4x128xi32, #tpu.memory_space<hbm>>, %arg6: memref<16384x128xf32, #tpu.memory_space<hbm>>, %arg7: memref<16384x128xf32, #tpu.memory_space<hbm>>, %arg8: memref<4x128xi32, #tpu.memory_space<vmem>>, %arg9: memref<4x128xi32, #tpu.memory_space<vmem>>, %arg10: memref<4x128x128xf32, #tpu.memory_space<vmem>>, %arg11: memref<!tpu.dma_semaphore, #tpu.memory_space<semaphore_mem>>, %arg12: memref<!tpu.dma_semaphore, #tpu.memory_space<semaphore_mem>>) attributes {dimension_semantics = [#tpu.dimension_semantics<core_parallel>, #tpu.dimension_semantics<subcore_parallel>], iteration_bounds = array<i64: 2, 16>, scalar_prefetch = 0 : i64, scratch_operands = 5 : i64, tpu.core_type = #tpu.core_type<sc_vector_subcore>, window_params = [{transform_indices = #map}, {transform_indices = #map}, {transform_indices = #map1}, {transform_indices = #map1}, {transform_indices = #map}, {transform_indices = #map}]} {
    %mul3A = arith.constant 2 : i32
    %mul3A_0 = arith.muli %arg1, %mul3A : i32
    %add3A = arith.addi %mul3A_0, %arg0 : i32
    %mul3A_1 = arith.constant 512 : i32
    %mul3A_2 = arith.muli %add3A, %mul3A_1 : i32
    "tpu.region"() ({
      %run_scoped3A = tpu.sem_alloc : memref<!tpu.dma_semaphore, #tpu.memory_space<semaphore_mem>>
      %dma_start3A_417 = arith.constant 0 : i32
      %dma_start3A_418 = arith.constant 0 : i32
      %dma_start3A_419 = tpu.memref_slice %arg4[%add3A, %dma_start3A_417, %dma_start3A_418] : memref<32x4x128xi32, #tpu.memory_space<hbm>> -> memref<1x4x128xi32, #tpu.memory_space<hbm>>
      %dma_start3A_420 = tpu.memref_squeeze %dma_start3A_419 : memref<1x4x128xi32, #tpu.memory_space<hbm>> -> memref<4x128xi32, #tpu.memory_space<hbm>>
      %dma_start3A_421 = arith.constant 0 : i32
      %dma_start3A_422 = arith.constant 0 : i32
      %dma_start3A_423 = tpu.memref_slice %arg4[%add3A, %dma_start3A_421, %dma_start3A_422] : memref<32x4x128xi32, #tpu.memory_space<hbm>> -> memref<1x4x128xi32, #tpu.memory_space<hbm>>
      %dma_start3A_424 = tpu.memref_squeeze %dma_start3A_423 : memref<1x4x128xi32, #tpu.memory_space<hbm>> -> memref<4x128xi32, #tpu.memory_space<hbm>>
      tpu.enqueue_dma source(%dma_start3A_424 : memref<4x128xi32, #tpu.memory_space<hbm>>) target(%arg8 : memref<4x128xi32, #tpu.memory_space<vmem>>) target_semaphore(%run_scoped3A : memref<!tpu.dma_semaphore, #tpu.memory_space<semaphore_mem>>)
      %dma_wait3A_425 = arith.constant 0 : i32
      %dma_wait3A_426 = arith.constant 0 : i32
      %dma_wait3A_427 = tpu.memref_slice %arg4[%add3A, %dma_wait3A_425, %dma_wait3A_426] : memref<32x4x128xi32, #tpu.memory_space<hbm>> -> memref<1x4x128xi32, #tpu.memory_space<hbm>>
      %dma_wait3A_428 = tpu.memref_squeeze %dma_wait3A_427 : memref<1x4x128xi32, #tpu.memory_space<hbm>> -> memref<4x128xi32, #tpu.memory_space<hbm>>
      %dma_wait3A_429 = arith.constant 0 : i32
      %dma_wait3A_430 = arith.constant 0 : i32
      %dma_wait3A_431 = tpu.memref_slice %arg4[%add3A, %dma_wait3A_429, %dma_wait3A_430] : memref<32x4x128xi32, #tpu.memory_space<hbm>> -> memref<1x4x128xi32, #tpu.memory_space<hbm>>
      %dma_wait3A_432 = tpu.memref_squeeze %dma_wait3A_431 : memref<1x4x128xi32, #tpu.memory_space<hbm>> -> memref<4x128xi32, #tpu.memory_space<hbm>>
      tpu.wait_dma2 semaphore(%run_scoped3A : memref<!tpu.dma_semaphore, #tpu.memory_space<semaphore_mem>>) src(%dma_wait3A_432 : memref<4x128xi32, #tpu.memory_space<hbm>>) dst(%arg8 : memref<4x128xi32, #tpu.memory_space<vmem>>)
      tpu.yield
    }) : () -> ()
    "tpu.region"() ({
      %run_scoped3A = tpu.sem_alloc : memref<!tpu.dma_semaphore, #tpu.memory_space<semaphore_mem>>
      %dma_start3A_417 = arith.constant 0 : i32
      %dma_start3A_418 = arith.constant 0 : i32
      %dma_start3A_419 = tpu.memref_slice %arg5[%add3A, %dma_start3A_417, %dma_start3A_418] : memref<32x4x128xi32, #tpu.memory_space<hbm>> -> memref<1x4x128xi32, #tpu.memory_space<hbm>>
      %dma_start3A_420 = tpu.memref_squeeze %dma_start3A_419 : memref<1x4x128xi32, #tpu.memory_space<hbm>> -> memref<4x128xi32, #tpu.memory_space<hbm>>
      %dma_start3A_421 = arith.constant 0 : i32
      %dma_start3A_422 = arith.constant 0 : i32
      %dma_start3A_423 = tpu.memref_slice %arg5[%add3A, %dma_start3A_421, %dma_start3A_422] : memref<32x4x128xi32, #tpu.memory_space<hbm>> -> memref<1x4x128xi32, #tpu.memory_space<hbm>>
      %dma_start3A_424 = tpu.memref_squeeze %dma_start3A_423 : memref<1x4x128xi32, #tpu.memory_space<hbm>> -> memref<4x128xi32, #tpu.memory_space<hbm>>
      tpu.enqueue_dma source(%dma_start3A_424 : memref<4x128xi32, #tpu.memory_space<hbm>>) target(%arg9 : memref<4x128xi32, #tpu.memory_space<vmem>>) target_semaphore(%run_scoped3A : memref<!tpu.dma_semaphore, #tpu.memory_space<semaphore_mem>>)
      %dma_wait3A_425 = arith.constant 0 : i32
      %dma_wait3A_426 = arith.constant 0 : i32
      %dma_wait3A_427 = tpu.memref_slice %arg5[%add3A, %dma_wait3A_425, %dma_wait3A_426] : memref<32x4x128xi32, #tpu.memory_space<hbm>> -> memref<1x4x128xi32, #tpu.memory_space<hbm>>
      %dma_wait3A_428 = tpu.memref_squeeze %dma_wait3A_427 : memref<1x4x128xi32, #tpu.memory_space<hbm>> -> memref<4x128xi32, #tpu.memory_space<hbm>>
      %dma_wait3A_429 = arith.constant 0 : i32
      %dma_wait3A_430 = arith.constant 0 : i32
      %dma_wait3A_431 = tpu.memref_slice %arg5[%add3A, %dma_wait3A_429, %dma_wait3A_430] : memref<32x4x128xi32, #tpu.memory_space<hbm>> -> memref<1x4x128xi32, #tpu.memory_space<hbm>>
      %dma_wait3A_432 = tpu.memref_squeeze %dma_wait3A_431 : memref<1x4x128xi32, #tpu.memory_space<hbm>> -> memref<4x128xi32, #tpu.memory_space<hbm>>
      tpu.wait_dma2 semaphore(%run_scoped3A : memref<!tpu.dma_semaphore, #tpu.memory_space<semaphore_mem>>) src(%dma_wait3A_432 : memref<4x128xi32, #tpu.memory_space<hbm>>) dst(%arg9 : memref<4x128xi32, #tpu.memory_space<vmem>>)
      tpu.yield
    }) : () -> ()
    %dma_start3A = arith.constant 0 : i32
    %dma_start3A_3 = arith.constant 0 : i32
    %dma_start3A_4 = arith.constant 0 : i32
    %dma_start3A_5 = arith.constant 0 : i32
    %dma_start3A_6 = tpu.memref_slice %arg10[%dma_start3A_3, %dma_start3A_4, %dma_start3A_5] : memref<4x128x128xf32, #tpu.memory_space<vmem>> -> memref<1x128x128xf32, #tpu.memory_space<vmem>>
    %dma_start3A_7 = tpu.memref_squeeze %dma_start3A_6 : memref<1x128x128xf32, #tpu.memory_space<vmem>> -> memref<128x128xf32, #tpu.memory_space<vmem>>
    %dma_start3A_8 = arith.constant 0 : i32
    %dma_start3A_9 = tpu.memref_slice %arg8[%dma_start3A, %dma_start3A_8] : memref<4x128xi32, #tpu.memory_space<vmem>> -> memref<1x128xi32, #tpu.memory_space<vmem>>
    %dma_start3A_10 = tpu.memref_squeeze %dma_start3A_9 : memref<1x128xi32, #tpu.memory_space<vmem>> -> memref<128xi32, #tpu.memory_space<vmem>>
    %dma_start3A_11 = arith.constant 0 : i32
    %dma_start3A_12 = arith.constant 0 : i32
    %dma_start3A_13 = tpu.memref_slice %arg2[%dma_start3A_11, %dma_start3A_12] : memref<131072x128xf32, #tpu.memory_space<hbm>> -> memref<131072x128xf32, #tpu.memory_space<hbm>>
    tpu.enqueue_indirect_dma source(%dma_start3A_13 : memref<131072x128xf32, #tpu.memory_space<hbm>>) target(%dma_start3A_7 : memref<128x128xf32, #tpu.memory_space<vmem>>) offsets(%dma_start3A_10 : memref<128xi32, #tpu.memory_space<vmem>>) semaphore(%arg11 : memref<!tpu.dma_semaphore, #tpu.memory_space<semaphore_mem>>)
    %dma_start3A_14 = arith.constant 1 : i32
    %dma_start3A_15 = arith.constant 1 : i32
    %dma_start3A_16 = arith.constant 0 : i32
    %dma_start3A_17 = arith.constant 0 : i32
    %dma_start3A_18 = tpu.memref_slice %arg10[%dma_start3A_15, %dma_start3A_16, %dma_start3A_17] : memref<4x128x128xf32, #tpu.memory_space<vmem>> -> memref<1x128x128xf32, #tpu.memory_space<vmem>>
    %dma_start3A_19 = tpu.memref_squeeze %dma_start3A_18 : memref<1x128x128xf32, #tpu.memory_space<vmem>> -> memref<128x128xf32, #tpu.memory_space<vmem>>
    %dma_start3A_20 = arith.constant 0 : i32
    %dma_start3A_21 = tpu.memref_slice %arg8[%dma_start3A_14, %dma_start3A_20] : memref<4x128xi32, #tpu.memory_space<vmem>> -> memref<1x128xi32, #tpu.memory_space<vmem>>
    %dma_start3A_22 = tpu.memref_squeeze %dma_start3A_21 : memref<1x128xi32, #tpu.memory_space<vmem>> -> memref<128xi32, #tpu.memory_space<vmem>>
    %dma_start3A_23 = arith.constant 0 : i32
    %dma_start3A_24 = arith.constant 0 : i32
    %dma_start3A_25 = tpu.memref_slice %arg2[%dma_start3A_23, %dma_start3A_24] : memref<131072x128xf32, #tpu.memory_space<hbm>> -> memref<131072x128xf32, #tpu.memory_space<hbm>>
    tpu.enqueue_indirect_dma source(%dma_start3A_25 : memref<131072x128xf32, #tpu.memory_space<hbm>>) target(%dma_start3A_19 : memref<128x128xf32, #tpu.memory_space<vmem>>) offsets(%dma_start3A_22 : memref<128xi32, #tpu.memory_space<vmem>>) semaphore(%arg11 : memref<!tpu.dma_semaphore, #tpu.memory_space<semaphore_mem>>)
    %dma_start3A_26 = arith.constant 2 : i32
    %dma_start3A_27 = arith.constant 2 : i32
    %dma_start3A_28 = arith.constant 0 : i32
    %dma_start3A_29 = arith.constant 0 : i32
    %dma_start3A_30 = tpu.memref_slice %arg10[%dma_start3A_27, %dma_start3A_28, %dma_start3A_29] : memref<4x128x128xf32, #tpu.memory_space<vmem>> -> memref<1x128x128xf32, #tpu.memory_space<vmem>>
    %dma_start3A_31 = tpu.memref_squeeze %dma_start3A_30 : memref<1x128x128xf32, #tpu.memory_space<vmem>> -> memref<128x128xf32, #tpu.memory_space<vmem>>
    %dma_start3A_32 = arith.constant 0 : i32
    %dma_start3A_33 = tpu.memref_slice %arg8[%dma_start3A_26, %dma_start3A_32] : memref<4x128xi32, #tpu.memory_space<vmem>> -> memref<1x128xi32, #tpu.memory_space<vmem>>
    %dma_start3A_34 = tpu.memref_squeeze %dma_start3A_33 : memref<1x128xi32, #tpu.memory_space<vmem>> -> memref<128xi32, #tpu.memory_space<vmem>>
    %dma_start3A_35 = arith.constant 0 : i32
    %dma_start3A_36 = arith.constant 0 : i32
    %dma_start3A_37 = tpu.memref_slice %arg2[%dma_start3A_35, %dma_start3A_36] : memref<131072x128xf32, #tpu.memory_space<hbm>> -> memref<131072x128xf32, #tpu.memory_space<hbm>>
    tpu.enqueue_indirect_dma source(%dma_start3A_37 : memref<131072x128xf32, #tpu.memory_space<hbm>>) target(%dma_start3A_31 : memref<128x128xf32, #tpu.memory_space<vmem>>) offsets(%dma_start3A_34 : memref<128xi32, #tpu.memory_space<vmem>>) semaphore(%arg11 : memref<!tpu.dma_semaphore, #tpu.memory_space<semaphore_mem>>)
    %dma_start3A_38 = arith.constant 3 : i32
    %dma_start3A_39 = arith.constant 3 : i32
    %dma_start3A_40 = arith.constant 0 : i32
    %dma_start3A_41 = arith.constant 0 : i32
    %dma_start3A_42 = tpu.memref_slice %arg10[%dma_start3A_39, %dma_start3A_40, %dma_start3A_41] : memref<4x128x128xf32, #tpu.memory_space<vmem>> -> memref<1x128x128xf32, #tpu.memory_space<vmem>>
    %dma_start3A_43 = tpu.memref_squeeze %dma_start3A_42 : memref<1x128x128xf32, #tpu.memory_space<vmem>> -> memref<128x128xf32, #tpu.memory_space<vmem>>
    %dma_start3A_44 = arith.constant 0 : i32
    %dma_start3A_45 = tpu.memref_slice %arg8[%dma_start3A_38, %dma_start3A_44] : memref<4x128xi32, #tpu.memory_space<vmem>> -> memref<1x128xi32, #tpu.memory_space<vmem>>
    %dma_start3A_46 = tpu.memref_squeeze %dma_start3A_45 : memref<1x128xi32, #tpu.memory_space<vmem>> -> memref<128xi32, #tpu.memory_space<vmem>>
    %dma_start3A_47 = arith.constant 0 : i32
    %dma_start3A_48 = arith.constant 0 : i32
    %dma_start3A_49 = tpu.memref_slice %arg2[%dma_start3A_47, %dma_start3A_48] : memref<131072x128xf32, #tpu.memory_space<hbm>> -> memref<131072x128xf32, #tpu.memory_space<hbm>>
    tpu.enqueue_indirect_dma source(%dma_start3A_49 : memref<131072x128xf32, #tpu.memory_space<hbm>>) target(%dma_start3A_43 : memref<128x128xf32, #tpu.memory_space<vmem>>) offsets(%dma_start3A_46 : memref<128xi32, #tpu.memory_space<vmem>>) semaphore(%arg11 : memref<!tpu.dma_semaphore, #tpu.memory_space<semaphore_mem>>)
    %dma_wait3A = arith.constant 0 : i32
    %dma_wait3A_50 = arith.constant 0 : i32
    %dma_wait3A_51 = arith.constant 0 : i32
    %dma_wait3A_52 = arith.constant 0 : i32
    %dma_wait3A_53 = tpu.memref_slice %arg10[%dma_wait3A_50, %dma_wait3A_51, %dma_wait3A_52] : memref<4x128x128xf32, #tpu.memory_space<vmem>> -> memref<1x128x128xf32, #tpu.memory_space<vmem>>
    %dma_wait3A_54 = tpu.memref_squeeze %dma_wait3A_53 : memref<1x128x128xf32, #tpu.memory_space<vmem>> -> memref<128x128xf32, #tpu.memory_space<vmem>>
    %dma_wait3A_55 = arith.constant 0 : i32
    %dma_wait3A_56 = tpu.memref_slice %arg8[%dma_wait3A, %dma_wait3A_55] : memref<4x128xi32, #tpu.memory_space<vmem>> -> memref<1x128xi32, #tpu.memory_space<vmem>>
    %dma_wait3A_57 = tpu.memref_squeeze %dma_wait3A_56 : memref<1x128xi32, #tpu.memory_space<vmem>> -> memref<128xi32, #tpu.memory_space<vmem>>
    %dma_wait3A_58 = arith.constant 0 : i32
    %dma_wait3A_59 = arith.constant 0 : i32
    %dma_wait3A_60 = tpu.memref_slice %arg2[%dma_wait3A_58, %dma_wait3A_59] : memref<131072x128xf32, #tpu.memory_space<hbm>> -> memref<131072x128xf32, #tpu.memory_space<hbm>>
    tpu.wait_indirect_dma semaphore(%arg11 : memref<!tpu.dma_semaphore, #tpu.memory_space<semaphore_mem>>) src(%dma_wait3A_60 : memref<131072x128xf32, #tpu.memory_space<hbm>>) dst(%dma_wait3A_54 : memref<128x128xf32, #tpu.memory_space<vmem>>)
    %dma_wait3A_61 = arith.constant 1 : i32
    %dma_wait3A_62 = arith.constant 1 : i32
    %dma_wait3A_63 = arith.constant 0 : i32
    %dma_wait3A_64 = arith.constant 0 : i32
    %dma_wait3A_65 = tpu.memref_slice %arg10[%dma_wait3A_62, %dma_wait3A_63, %dma_wait3A_64] : memref<4x128x128xf32, #tpu.memory_space<vmem>> -> memref<1x128x128xf32, #tpu.memory_space<vmem>>
    %dma_wait3A_66 = tpu.memref_squeeze %dma_wait3A_65 : memref<1x128x128xf32, #tpu.memory_space<vmem>> -> memref<128x128xf32, #tpu.memory_space<vmem>>
    %dma_wait3A_67 = arith.constant 0 : i32
    %dma_wait3A_68 = tpu.memref_slice %arg8[%dma_wait3A_61, %dma_wait3A_67] : memref<4x128xi32, #tpu.memory_space<vmem>> -> memref<1x128xi32, #tpu.memory_space<vmem>>
    %dma_wait3A_69 = tpu.memref_squeeze %dma_wait3A_68 : memref<1x128xi32, #tpu.memory_space<vmem>> -> memref<128xi32, #tpu.memory_space<vmem>>
    %dma_wait3A_70 = arith.constant 0 : i32
    %dma_wait3A_71 = arith.constant 0 : i32
    %dma_wait3A_72 = tpu.memref_slice %arg2[%dma_wait3A_70, %dma_wait3A_71] : memref<131072x128xf32, #tpu.memory_space<hbm>> -> memref<131072x128xf32, #tpu.memory_space<hbm>>
    tpu.wait_indirect_dma semaphore(%arg11 : memref<!tpu.dma_semaphore, #tpu.memory_space<semaphore_mem>>) src(%dma_wait3A_72 : memref<131072x128xf32, #tpu.memory_space<hbm>>) dst(%dma_wait3A_66 : memref<128x128xf32, #tpu.memory_space<vmem>>)
    %dma_wait3A_73 = arith.constant 2 : i32
    %dma_wait3A_74 = arith.constant 2 : i32
    %dma_wait3A_75 = arith.constant 0 : i32
    %dma_wait3A_76 = arith.constant 0 : i32
    %dma_wait3A_77 = tpu.memref_slice %arg10[%dma_wait3A_74, %dma_wait3A_75, %dma_wait3A_76] : memref<4x128x128xf32, #tpu.memory_space<vmem>> -> memref<1x128x128xf32, #tpu.memory_space<vmem>>
    %dma_wait3A_78 = tpu.memref_squeeze %dma_wait3A_77 : memref<1x128x128xf32, #tpu.memory_space<vmem>> -> memref<128x128xf32, #tpu.memory_space<vmem>>
    %dma_wait3A_79 = arith.constant 0 : i32
    %dma_wait3A_80 = tpu.memref_slice %arg8[%dma_wait3A_73, %dma_wait3A_79] : memref<4x128xi32, #tpu.memory_space<vmem>> -> memref<1x128xi32, #tpu.memory_space<vmem>>
    %dma_wait3A_81 = tpu.memref_squeeze %dma_wait3A_80 : memref<1x128xi32, #tpu.memory_space<vmem>> -> memref<128xi32, #tpu.memory_space<vmem>>
    %dma_wait3A_82 = arith.constant 0 : i32
    %dma_wait3A_83 = arith.constant 0 : i32
    %dma_wait3A_84 = tpu.memref_slice %arg2[%dma_wait3A_82, %dma_wait3A_83] : memref<131072x128xf32, #tpu.memory_space<hbm>> -> memref<131072x128xf32, #tpu.memory_space<hbm>>
    tpu.wait_indirect_dma semaphore(%arg11 : memref<!tpu.dma_semaphore, #tpu.memory_space<semaphore_mem>>) src(%dma_wait3A_84 : memref<131072x128xf32, #tpu.memory_space<hbm>>) dst(%dma_wait3A_78 : memref<128x128xf32, #tpu.memory_space<vmem>>)
    %dma_wait3A_85 = arith.constant 3 : i32
    %dma_wait3A_86 = arith.constant 3 : i32
    %dma_wait3A_87 = arith.constant 0 : i32
    %dma_wait3A_88 = arith.constant 0 : i32
    %dma_wait3A_89 = tpu.memref_slice %arg10[%dma_wait3A_86, %dma_wait3A_87, %dma_wait3A_88] : memref<4x128x128xf32, #tpu.memory_space<vmem>> -> memref<1x128x128xf32, #tpu.memory_space<vmem>>
    %dma_wait3A_90 = tpu.memref_squeeze %dma_wait3A_89 : memref<1x128x128xf32, #tpu.memory_space<vmem>> -> memref<128x128xf32, #tpu.memory_space<vmem>>
    %dma_wait3A_91 = arith.constant 0 : i32
    %dma_wait3A_92 = tpu.memref_slice %arg8[%dma_wait3A_85, %dma_wait3A_91] : memref<4x128xi32, #tpu.memory_space<vmem>> -> memref<1x128xi32, #tpu.memory_space<vmem>>
    %dma_wait3A_93 = tpu.memref_squeeze %dma_wait3A_92 : memref<1x128xi32, #tpu.memory_space<vmem>> -> memref<128xi32, #tpu.memory_space<vmem>>
    %dma_wait3A_94 = arith.constant 0 : i32
    %dma_wait3A_95 = arith.constant 0 : i32
    %dma_wait3A_96 = tpu.memref_slice %arg2[%dma_wait3A_94, %dma_wait3A_95] : memref<131072x128xf32, #tpu.memory_space<hbm>> -> memref<131072x128xf32, #tpu.memory_space<hbm>>
    tpu.wait_indirect_dma semaphore(%arg11 : memref<!tpu.dma_semaphore, #tpu.memory_space<semaphore_mem>>) src(%dma_wait3A_96 : memref<131072x128xf32, #tpu.memory_space<hbm>>) dst(%dma_wait3A_90 : memref<128x128xf32, #tpu.memory_space<vmem>>)
    %add3A_97 = arith.constant 0 : i32
    %add3A_98 = arith.addi %mul3A_2, %add3A_97 : i32
    %dma_start3A_99 = arith.constant 0 : i32
    %dma_start3A_100 = arith.constant 0 : i32
    %dma_start3A_101 = arith.constant 0 : i32
    %dma_start3A_102 = tpu.memref_slice %arg10[%dma_start3A_99, %dma_start3A_100, %dma_start3A_101] : memref<4x128x128xf32, #tpu.memory_space<vmem>> -> memref<1x128x128xf32, #tpu.memory_space<vmem>>
    %dma_start3A_103 = tpu.memref_squeeze %dma_start3A_102 : memref<1x128x128xf32, #tpu.memory_space<vmem>> -> memref<128x128xf32, #tpu.memory_space<vmem>>
    %dma_start3A_104 = arith.constant 0 : i32
    %dma_start3A_105 = tpu.memref_slice %arg6[%add3A_98, %dma_start3A_104] : memref<16384x128xf32, #tpu.memory_space<hbm>> -> memref<128x128xf32, #tpu.memory_space<hbm>>
    %dma_start3A_106 = arith.constant 0 : i32
    %dma_start3A_107 = tpu.memref_slice %arg6[%add3A_98, %dma_start3A_106] : memref<16384x128xf32, #tpu.memory_space<hbm>> -> memref<128x128xf32, #tpu.memory_space<hbm>>
    %dma_start3A_108 = arith.constant 0 : i32
    %dma_start3A_109 = arith.constant 0 : i32
    %dma_start3A_110 = tpu.memref_slice %arg10[%dma_start3A_99, %dma_start3A_108, %dma_start3A_109] : memref<4x128x128xf32, #tpu.memory_space<vmem>> -> memref<1x128x128xf32, #tpu.memory_space<vmem>>
    %dma_start3A_111 = tpu.memref_squeeze %dma_start3A_110 : memref<1x128x128xf32, #tpu.memory_space<vmem>> -> memref<128x128xf32, #tpu.memory_space<vmem>>
    tpu.enqueue_dma source(%dma_start3A_111 : memref<128x128xf32, #tpu.memory_space<vmem>>) target(%dma_start3A_107 : memref<128x128xf32, #tpu.memory_space<hbm>>) target_semaphore(%arg12 : memref<!tpu.dma_semaphore, #tpu.memory_space<semaphore_mem>>)
    %add3A_112 = arith.constant 128 : i32
    %add3A_113 = arith.addi %mul3A_2, %add3A_112 : i32
    %dma_start3A_114 = arith.constant 1 : i32
    %dma_start3A_115 = arith.constant 0 : i32
    %dma_start3A_116 = arith.constant 0 : i32
    %dma_start3A_117 = tpu.memref_slice %arg10[%dma_start3A_114, %dma_start3A_115, %dma_start3A_116] : memref<4x128x128xf32, #tpu.memory_space<vmem>> -> memref<1x128x128xf32, #tpu.memory_space<vmem>>
    %dma_start3A_118 = tpu.memref_squeeze %dma_start3A_117 : memref<1x128x128xf32, #tpu.memory_space<vmem>> -> memref<128x128xf32, #tpu.memory_space<vmem>>
    %dma_start3A_119 = arith.constant 0 : i32
    %dma_start3A_120 = tpu.memref_slice %arg6[%add3A_113, %dma_start3A_119] : memref<16384x128xf32, #tpu.memory_space<hbm>> -> memref<128x128xf32, #tpu.memory_space<hbm>>
    %dma_start3A_121 = arith.constant 0 : i32
    %dma_start3A_122 = tpu.memref_slice %arg6[%add3A_113, %dma_start3A_121] : memref<16384x128xf32, #tpu.memory_space<hbm>> -> memref<128x128xf32, #tpu.memory_space<hbm>>
    %dma_start3A_123 = arith.constant 0 : i32
    %dma_start3A_124 = arith.constant 0 : i32
    %dma_start3A_125 = tpu.memref_slice %arg10[%dma_start3A_114, %dma_start3A_123, %dma_start3A_124] : memref<4x128x128xf32, #tpu.memory_space<vmem>> -> memref<1x128x128xf32, #tpu.memory_space<vmem>>
    %dma_start3A_126 = tpu.memref_squeeze %dma_start3A_125 : memref<1x128x128xf32, #tpu.memory_space<vmem>> -> memref<128x128xf32, #tpu.memory_space<vmem>>
    tpu.enqueue_dma source(%dma_start3A_126 : memref<128x128xf32, #tpu.memory_space<vmem>>) target(%dma_start3A_122 : memref<128x128xf32, #tpu.memory_space<hbm>>) target_semaphore(%arg12 : memref<!tpu.dma_semaphore, #tpu.memory_space<semaphore_mem>>)
    %add3A_127 = arith.constant 256 : i32
    %add3A_128 = arith.addi %mul3A_2, %add3A_127 : i32
    %dma_start3A_129 = arith.constant 2 : i32
    %dma_start3A_130 = arith.constant 0 : i32
    %dma_start3A_131 = arith.constant 0 : i32
    %dma_start3A_132 = tpu.memref_slice %arg10[%dma_start3A_129, %dma_start3A_130, %dma_start3A_131] : memref<4x128x128xf32, #tpu.memory_space<vmem>> -> memref<1x128x128xf32, #tpu.memory_space<vmem>>
    %dma_start3A_133 = tpu.memref_squeeze %dma_start3A_132 : memref<1x128x128xf32, #tpu.memory_space<vmem>> -> memref<128x128xf32, #tpu.memory_space<vmem>>
    %dma_start3A_134 = arith.constant 0 : i32
    %dma_start3A_135 = tpu.memref_slice %arg6[%add3A_128, %dma_start3A_134] : memref<16384x128xf32, #tpu.memory_space<hbm>> -> memref<128x128xf32, #tpu.memory_space<hbm>>
    %dma_start3A_136 = arith.constant 0 : i32
    %dma_start3A_137 = tpu.memref_slice %arg6[%add3A_128, %dma_start3A_136] : memref<16384x128xf32, #tpu.memory_space<hbm>> -> memref<128x128xf32, #tpu.memory_space<hbm>>
    %dma_start3A_138 = arith.constant 0 : i32
    %dma_start3A_139 = arith.constant 0 : i32
    %dma_start3A_140 = tpu.memref_slice %arg10[%dma_start3A_129, %dma_start3A_138, %dma_start3A_139] : memref<4x128x128xf32, #tpu.memory_space<vmem>> -> memref<1x128x128xf32, #tpu.memory_space<vmem>>
    %dma_start3A_141 = tpu.memref_squeeze %dma_start3A_140 : memref<1x128x128xf32, #tpu.memory_space<vmem>> -> memref<128x128xf32, #tpu.memory_space<vmem>>
    tpu.enqueue_dma source(%dma_start3A_141 : memref<128x128xf32, #tpu.memory_space<vmem>>) target(%dma_start3A_137 : memref<128x128xf32, #tpu.memory_space<hbm>>) target_semaphore(%arg12 : memref<!tpu.dma_semaphore, #tpu.memory_space<semaphore_mem>>)
    %add3A_142 = arith.constant 384 : i32
    %add3A_143 = arith.addi %mul3A_2, %add3A_142 : i32
    %dma_start3A_144 = arith.constant 3 : i32
    %dma_start3A_145 = arith.constant 0 : i32
    %dma_start3A_146 = arith.constant 0 : i32
    %dma_start3A_147 = tpu.memref_slice %arg10[%dma_start3A_144, %dma_start3A_145, %dma_start3A_146] : memref<4x128x128xf32, #tpu.memory_space<vmem>> -> memref<1x128x128xf32, #tpu.memory_space<vmem>>
    %dma_start3A_148 = tpu.memref_squeeze %dma_start3A_147 : memref<1x128x128xf32, #tpu.memory_space<vmem>> -> memref<128x128xf32, #tpu.memory_space<vmem>>
    %dma_start3A_149 = arith.constant 0 : i32
    %dma_start3A_150 = tpu.memref_slice %arg6[%add3A_143, %dma_start3A_149] : memref<16384x128xf32, #tpu.memory_space<hbm>> -> memref<128x128xf32, #tpu.memory_space<hbm>>
    %dma_start3A_151 = arith.constant 0 : i32
    %dma_start3A_152 = tpu.memref_slice %arg6[%add3A_143, %dma_start3A_151] : memref<16384x128xf32, #tpu.memory_space<hbm>> -> memref<128x128xf32, #tpu.memory_space<hbm>>
    %dma_start3A_153 = arith.constant 0 : i32
    %dma_start3A_154 = arith.constant 0 : i32
    %dma_start3A_155 = tpu.memref_slice %arg10[%dma_start3A_144, %dma_start3A_153, %dma_start3A_154] : memref<4x128x128xf32, #tpu.memory_space<vmem>> -> memref<1x128x128xf32, #tpu.memory_space<vmem>>
    %dma_start3A_156 = tpu.memref_squeeze %dma_start3A_155 : memref<1x128x128xf32, #tpu.memory_space<vmem>> -> memref<128x128xf32, #tpu.memory_space<vmem>>
    tpu.enqueue_dma source(%dma_start3A_156 : memref<128x128xf32, #tpu.memory_space<vmem>>) target(%dma_start3A_152 : memref<128x128xf32, #tpu.memory_space<hbm>>) target_semaphore(%arg12 : memref<!tpu.dma_semaphore, #tpu.memory_space<semaphore_mem>>)
    %dma_wait3A_157 = arith.constant 0 : i32
    %dma_wait3A_158 = arith.constant 0 : i32
    %dma_wait3A_159 = arith.constant 0 : i32
    %dma_wait3A_160 = tpu.memref_slice %arg10[%dma_wait3A_157, %dma_wait3A_158, %dma_wait3A_159] : memref<4x128x128xf32, #tpu.memory_space<vmem>> -> memref<1x128x128xf32, #tpu.memory_space<vmem>>
    %dma_wait3A_161 = tpu.memref_squeeze %dma_wait3A_160 : memref<1x128x128xf32, #tpu.memory_space<vmem>> -> memref<128x128xf32, #tpu.memory_space<vmem>>
    %dma_wait3A_162 = arith.constant 0 : i32
    %dma_wait3A_163 = tpu.memref_slice %arg6[%add3A_98, %dma_wait3A_162] : memref<16384x128xf32, #tpu.memory_space<hbm>> -> memref<128x128xf32, #tpu.memory_space<hbm>>
    %dma_wait3A_164 = arith.constant 0 : i32
    %dma_wait3A_165 = tpu.memref_slice %arg6[%add3A_98, %dma_wait3A_164] : memref<16384x128xf32, #tpu.memory_space<hbm>> -> memref<128x128xf32, #tpu.memory_space<hbm>>
    %dma_wait3A_166 = arith.constant 0 : i32
    %dma_wait3A_167 = arith.constant 0 : i32
    %dma_wait3A_168 = tpu.memref_slice %arg10[%dma_wait3A_157, %dma_wait3A_166, %dma_wait3A_167] : memref<4x128x128xf32, #tpu.memory_space<vmem>> -> memref<1x128x128xf32, #tpu.memory_space<vmem>>
    %dma_wait3A_169 = tpu.memref_squeeze %dma_wait3A_168 : memref<1x128x128xf32, #tpu.memory_space<vmem>> -> memref<128x128xf32, #tpu.memory_space<vmem>>
    tpu.wait_dma2 semaphore(%arg12 : memref<!tpu.dma_semaphore, #tpu.memory_space<semaphore_mem>>) src(%dma_wait3A_169 : memref<128x128xf32, #tpu.memory_space<vmem>>) dst(%dma_wait3A_165 : memref<128x128xf32, #tpu.memory_space<hbm>>)
    %dma_wait3A_170 = arith.constant 1 : i32
    %dma_wait3A_171 = arith.constant 0 : i32
    %dma_wait3A_172 = arith.constant 0 : i32
    %dma_wait3A_173 = tpu.memref_slice %arg10[%dma_wait3A_170, %dma_wait3A_171, %dma_wait3A_172] : memref<4x128x128xf32, #tpu.memory_space<vmem>> -> memref<1x128x128xf32, #tpu.memory_space<vmem>>
    %dma_wait3A_174 = tpu.memref_squeeze %dma_wait3A_173 : memref<1x128x128xf32, #tpu.memory_space<vmem>> -> memref<128x128xf32, #tpu.memory_space<vmem>>
    %dma_wait3A_175 = arith.constant 0 : i32
    %dma_wait3A_176 = tpu.memref_slice %arg6[%add3A_113, %dma_wait3A_175] : memref<16384x128xf32, #tpu.memory_space<hbm>> -> memref<128x128xf32, #tpu.memory_space<hbm>>
    %dma_wait3A_177 = arith.constant 0 : i32
    %dma_wait3A_178 = tpu.memref_slice %arg6[%add3A_113, %dma_wait3A_177] : memref<16384x128xf32, #tpu.memory_space<hbm>> -> memref<128x128xf32, #tpu.memory_space<hbm>>
    %dma_wait3A_179 = arith.constant 0 : i32
    %dma_wait3A_180 = arith.constant 0 : i32
    %dma_wait3A_181 = tpu.memref_slice %arg10[%dma_wait3A_170, %dma_wait3A_179, %dma_wait3A_180] : memref<4x128x128xf32, #tpu.memory_space<vmem>> -> memref<1x128x128xf32, #tpu.memory_space<vmem>>
    %dma_wait3A_182 = tpu.memref_squeeze %dma_wait3A_181 : memref<1x128x128xf32, #tpu.memory_space<vmem>> -> memref<128x128xf32, #tpu.memory_space<vmem>>
    tpu.wait_dma2 semaphore(%arg12 : memref<!tpu.dma_semaphore, #tpu.memory_space<semaphore_mem>>) src(%dma_wait3A_182 : memref<128x128xf32, #tpu.memory_space<vmem>>) dst(%dma_wait3A_178 : memref<128x128xf32, #tpu.memory_space<hbm>>)
    %dma_wait3A_183 = arith.constant 2 : i32
    %dma_wait3A_184 = arith.constant 0 : i32
    %dma_wait3A_185 = arith.constant 0 : i32
    %dma_wait3A_186 = tpu.memref_slice %arg10[%dma_wait3A_183, %dma_wait3A_184, %dma_wait3A_185] : memref<4x128x128xf32, #tpu.memory_space<vmem>> -> memref<1x128x128xf32, #tpu.memory_space<vmem>>
    %dma_wait3A_187 = tpu.memref_squeeze %dma_wait3A_186 : memref<1x128x128xf32, #tpu.memory_space<vmem>> -> memref<128x128xf32, #tpu.memory_space<vmem>>
    %dma_wait3A_188 = arith.constant 0 : i32
    %dma_wait3A_189 = tpu.memref_slice %arg6[%add3A_128, %dma_wait3A_188] : memref<16384x128xf32, #tpu.memory_space<hbm>> -> memref<128x128xf32, #tpu.memory_space<hbm>>
    %dma_wait3A_190 = arith.constant 0 : i32
    %dma_wait3A_191 = tpu.memref_slice %arg6[%add3A_128, %dma_wait3A_190] : memref<16384x128xf32, #tpu.memory_space<hbm>> -> memref<128x128xf32, #tpu.memory_space<hbm>>
    %dma_wait3A_192 = arith.constant 0 : i32
    %dma_wait3A_193 = arith.constant 0 : i32
    %dma_wait3A_194 = tpu.memref_slice %arg10[%dma_wait3A_183, %dma_wait3A_192, %dma_wait3A_193] : memref<4x128x128xf32, #tpu.memory_space<vmem>> -> memref<1x128x128xf32, #tpu.memory_space<vmem>>
    %dma_wait3A_195 = tpu.memref_squeeze %dma_wait3A_194 : memref<1x128x128xf32, #tpu.memory_space<vmem>> -> memref<128x128xf32, #tpu.memory_space<vmem>>
    tpu.wait_dma2 semaphore(%arg12 : memref<!tpu.dma_semaphore, #tpu.memory_space<semaphore_mem>>) src(%dma_wait3A_195 : memref<128x128xf32, #tpu.memory_space<vmem>>) dst(%dma_wait3A_191 : memref<128x128xf32, #tpu.memory_space<hbm>>)
    %dma_wait3A_196 = arith.constant 3 : i32
    %dma_wait3A_197 = arith.constant 0 : i32
    %dma_wait3A_198 = arith.constant 0 : i32
    %dma_wait3A_199 = tpu.memref_slice %arg10[%dma_wait3A_196, %dma_wait3A_197, %dma_wait3A_198] : memref<4x128x128xf32, #tpu.memory_space<vmem>> -> memref<1x128x128xf32, #tpu.memory_space<vmem>>
    %dma_wait3A_200 = tpu.memref_squeeze %dma_wait3A_199 : memref<1x128x128xf32, #tpu.memory_space<vmem>> -> memref<128x128xf32, #tpu.memory_space<vmem>>
    %dma_wait3A_201 = arith.constant 0 : i32
    %dma_wait3A_202 = tpu.memref_slice %arg6[%add3A_143, %dma_wait3A_201] : memref<16384x128xf32, #tpu.memory_space<hbm>> -> memref<128x128xf32, #tpu.memory_space<hbm>>
    %dma_wait3A_203 = arith.constant 0 : i32
    %dma_wait3A_204 = tpu.memref_slice %arg6[%add3A_143, %dma_wait3A_203] : memref<16384x128xf32, #tpu.memory_space<hbm>> -> memref<128x128xf32, #tpu.memory_space<hbm>>
    %dma_wait3A_205 = arith.constant 0 : i32
    %dma_wait3A_206 = arith.constant 0 : i32
    %dma_wait3A_207 = tpu.memref_slice %arg10[%dma_wait3A_196, %dma_wait3A_205, %dma_wait3A_206] : memref<4x128x128xf32, #tpu.memory_space<vmem>> -> memref<1x128x128xf32, #tpu.memory_space<vmem>>
    %dma_wait3A_208 = tpu.memref_squeeze %dma_wait3A_207 : memref<1x128x128xf32, #tpu.memory_space<vmem>> -> memref<128x128xf32, #tpu.memory_space<vmem>>
    tpu.wait_dma2 semaphore(%arg12 : memref<!tpu.dma_semaphore, #tpu.memory_space<semaphore_mem>>) src(%dma_wait3A_208 : memref<128x128xf32, #tpu.memory_space<vmem>>) dst(%dma_wait3A_204 : memref<128x128xf32, #tpu.memory_space<hbm>>)
    %dma_start3A_209 = arith.constant 0 : i32
    %dma_start3A_210 = arith.constant 0 : i32
    %dma_start3A_211 = arith.constant 0 : i32
    %dma_start3A_212 = arith.constant 0 : i32
    %dma_start3A_213 = tpu.memref_slice %arg10[%dma_start3A_210, %dma_start3A_211, %dma_start3A_212] : memref<4x128x128xf32, #tpu.memory_space<vmem>> -> memref<1x128x128xf32, #tpu.memory_space<vmem>>
    %dma_start3A_214 = tpu.memref_squeeze %dma_start3A_213 : memref<1x128x128xf32, #tpu.memory_space<vmem>> -> memref<128x128xf32, #tpu.memory_space<vmem>>
    %dma_start3A_215 = arith.constant 0 : i32
    %dma_start3A_216 = tpu.memref_slice %arg9[%dma_start3A_209, %dma_start3A_215] : memref<4x128xi32, #tpu.memory_space<vmem>> -> memref<1x128xi32, #tpu.memory_space<vmem>>
    %dma_start3A_217 = tpu.memref_squeeze %dma_start3A_216 : memref<1x128xi32, #tpu.memory_space<vmem>> -> memref<128xi32, #tpu.memory_space<vmem>>
    %dma_start3A_218 = arith.constant 0 : i32
    %dma_start3A_219 = arith.constant 0 : i32
    %dma_start3A_220 = tpu.memref_slice %arg3[%dma_start3A_218, %dma_start3A_219] : memref<131072x128xf32, #tpu.memory_space<hbm>> -> memref<131072x128xf32, #tpu.memory_space<hbm>>
    tpu.enqueue_indirect_dma source(%dma_start3A_220 : memref<131072x128xf32, #tpu.memory_space<hbm>>) target(%dma_start3A_214 : memref<128x128xf32, #tpu.memory_space<vmem>>) offsets(%dma_start3A_217 : memref<128xi32, #tpu.memory_space<vmem>>) semaphore(%arg11 : memref<!tpu.dma_semaphore, #tpu.memory_space<semaphore_mem>>)
    %dma_start3A_221 = arith.constant 1 : i32
    %dma_start3A_222 = arith.constant 1 : i32
    %dma_start3A_223 = arith.constant 0 : i32
    %dma_start3A_224 = arith.constant 0 : i32
    %dma_start3A_225 = tpu.memref_slice %arg10[%dma_start3A_222, %dma_start3A_223, %dma_start3A_224] : memref<4x128x128xf32, #tpu.memory_space<vmem>> -> memref<1x128x128xf32, #tpu.memory_space<vmem>>
    %dma_start3A_226 = tpu.memref_squeeze %dma_start3A_225 : memref<1x128x128xf32, #tpu.memory_space<vmem>> -> memref<128x128xf32, #tpu.memory_space<vmem>>
    %dma_start3A_227 = arith.constant 0 : i32
    %dma_start3A_228 = tpu.memref_slice %arg9[%dma_start3A_221, %dma_start3A_227] : memref<4x128xi32, #tpu.memory_space<vmem>> -> memref<1x128xi32, #tpu.memory_space<vmem>>
    %dma_start3A_229 = tpu.memref_squeeze %dma_start3A_228 : memref<1x128xi32, #tpu.memory_space<vmem>> -> memref<128xi32, #tpu.memory_space<vmem>>
    %dma_start3A_230 = arith.constant 0 : i32
    %dma_start3A_231 = arith.constant 0 : i32
    %dma_start3A_232 = tpu.memref_slice %arg3[%dma_start3A_230, %dma_start3A_231] : memref<131072x128xf32, #tpu.memory_space<hbm>> -> memref<131072x128xf32, #tpu.memory_space<hbm>>
    tpu.enqueue_indirect_dma source(%dma_start3A_232 : memref<131072x128xf32, #tpu.memory_space<hbm>>) target(%dma_start3A_226 : memref<128x128xf32, #tpu.memory_space<vmem>>) offsets(%dma_start3A_229 : memref<128xi32, #tpu.memory_space<vmem>>) semaphore(%arg11 : memref<!tpu.dma_semaphore, #tpu.memory_space<semaphore_mem>>)
    %dma_start3A_233 = arith.constant 2 : i32
    %dma_start3A_234 = arith.constant 2 : i32
    %dma_start3A_235 = arith.constant 0 : i32
    %dma_start3A_236 = arith.constant 0 : i32
    %dma_start3A_237 = tpu.memref_slice %arg10[%dma_start3A_234, %dma_start3A_235, %dma_start3A_236] : memref<4x128x128xf32, #tpu.memory_space<vmem>> -> memref<1x128x128xf32, #tpu.memory_space<vmem>>
    %dma_start3A_238 = tpu.memref_squeeze %dma_start3A_237 : memref<1x128x128xf32, #tpu.memory_space<vmem>> -> memref<128x128xf32, #tpu.memory_space<vmem>>
    %dma_start3A_239 = arith.constant 0 : i32
    %dma_start3A_240 = tpu.memref_slice %arg9[%dma_start3A_233, %dma_start3A_239] : memref<4x128xi32, #tpu.memory_space<vmem>> -> memref<1x128xi32, #tpu.memory_space<vmem>>
    %dma_start3A_241 = tpu.memref_squeeze %dma_start3A_240 : memref<1x128xi32, #tpu.memory_space<vmem>> -> memref<128xi32, #tpu.memory_space<vmem>>
    %dma_start3A_242 = arith.constant 0 : i32
    %dma_start3A_243 = arith.constant 0 : i32
    %dma_start3A_244 = tpu.memref_slice %arg3[%dma_start3A_242, %dma_start3A_243] : memref<131072x128xf32, #tpu.memory_space<hbm>> -> memref<131072x128xf32, #tpu.memory_space<hbm>>
    tpu.enqueue_indirect_dma source(%dma_start3A_244 : memref<131072x128xf32, #tpu.memory_space<hbm>>) target(%dma_start3A_238 : memref<128x128xf32, #tpu.memory_space<vmem>>) offsets(%dma_start3A_241 : memref<128xi32, #tpu.memory_space<vmem>>) semaphore(%arg11 : memref<!tpu.dma_semaphore, #tpu.memory_space<semaphore_mem>>)
    %dma_start3A_245 = arith.constant 3 : i32
    %dma_start3A_246 = arith.constant 3 : i32
    %dma_start3A_247 = arith.constant 0 : i32
    %dma_start3A_248 = arith.constant 0 : i32
    %dma_start3A_249 = tpu.memref_slice %arg10[%dma_start3A_246, %dma_start3A_247, %dma_start3A_248] : memref<4x128x128xf32, #tpu.memory_space<vmem>> -> memref<1x128x128xf32, #tpu.memory_space<vmem>>
    %dma_start3A_250 = tpu.memref_squeeze %dma_start3A_249 : memref<1x128x128xf32, #tpu.memory_space<vmem>> -> memref<128x128xf32, #tpu.memory_space<vmem>>
    %dma_start3A_251 = arith.constant 0 : i32
    %dma_start3A_252 = tpu.memref_slice %arg9[%dma_start3A_245, %dma_start3A_251] : memref<4x128xi32, #tpu.memory_space<vmem>> -> memref<1x128xi32, #tpu.memory_space<vmem>>
    %dma_start3A_253 = tpu.memref_squeeze %dma_start3A_252 : memref<1x128xi32, #tpu.memory_space<vmem>> -> memref<128xi32, #tpu.memory_space<vmem>>
    %dma_start3A_254 = arith.constant 0 : i32
    %dma_start3A_255 = arith.constant 0 : i32
    %dma_start3A_256 = tpu.memref_slice %arg3[%dma_start3A_254, %dma_start3A_255] : memref<131072x128xf32, #tpu.memory_space<hbm>> -> memref<131072x128xf32, #tpu.memory_space<hbm>>
    tpu.enqueue_indirect_dma source(%dma_start3A_256 : memref<131072x128xf32, #tpu.memory_space<hbm>>) target(%dma_start3A_250 : memref<128x128xf32, #tpu.memory_space<vmem>>) offsets(%dma_start3A_253 : memref<128xi32, #tpu.memory_space<vmem>>) semaphore(%arg11 : memref<!tpu.dma_semaphore, #tpu.memory_space<semaphore_mem>>)
    %dma_wait3A_257 = arith.constant 0 : i32
    %dma_wait3A_258 = arith.constant 0 : i32
    %dma_wait3A_259 = arith.constant 0 : i32
    %dma_wait3A_260 = arith.constant 0 : i32
    %dma_wait3A_261 = tpu.memref_slice %arg10[%dma_wait3A_258, %dma_wait3A_259, %dma_wait3A_260] : memref<4x128x128xf32, #tpu.memory_space<vmem>> -> memref<1x128x128xf32, #tpu.memory_space<vmem>>
    %dma_wait3A_262 = tpu.memref_squeeze %dma_wait3A_261 : memref<1x128x128xf32, #tpu.memory_space<vmem>> -> memref<128x128xf32, #tpu.memory_space<vmem>>
    %dma_wait3A_263 = arith.constant 0 : i32
    %dma_wait3A_264 = tpu.memref_slice %arg9[%dma_wait3A_257, %dma_wait3A_263] : memref<4x128xi32, #tpu.memory_space<vmem>> -> memref<1x128xi32, #tpu.memory_space<vmem>>
    %dma_wait3A_265 = tpu.memref_squeeze %dma_wait3A_264 : memref<1x128xi32, #tpu.memory_space<vmem>> -> memref<128xi32, #tpu.memory_space<vmem>>
    %dma_wait3A_266 = arith.constant 0 : i32
    %dma_wait3A_267 = arith.constant 0 : i32
    %dma_wait3A_268 = tpu.memref_slice %arg3[%dma_wait3A_266, %dma_wait3A_267] : memref<131072x128xf32, #tpu.memory_space<hbm>> -> memref<131072x128xf32, #tpu.memory_space<hbm>>
    tpu.wait_indirect_dma semaphore(%arg11 : memref<!tpu.dma_semaphore, #tpu.memory_space<semaphore_mem>>) src(%dma_wait3A_268 : memref<131072x128xf32, #tpu.memory_space<hbm>>) dst(%dma_wait3A_262 : memref<128x128xf32, #tpu.memory_space<vmem>>)
    %dma_wait3A_269 = arith.constant 1 : i32
    %dma_wait3A_270 = arith.constant 1 : i32
    %dma_wait3A_271 = arith.constant 0 : i32
    %dma_wait3A_272 = arith.constant 0 : i32
    %dma_wait3A_273 = tpu.memref_slice %arg10[%dma_wait3A_270, %dma_wait3A_271, %dma_wait3A_272] : memref<4x128x128xf32, #tpu.memory_space<vmem>> -> memref<1x128x128xf32, #tpu.memory_space<vmem>>
    %dma_wait3A_274 = tpu.memref_squeeze %dma_wait3A_273 : memref<1x128x128xf32, #tpu.memory_space<vmem>> -> memref<128x128xf32, #tpu.memory_space<vmem>>
    %dma_wait3A_275 = arith.constant 0 : i32
    %dma_wait3A_276 = tpu.memref_slice %arg9[%dma_wait3A_269, %dma_wait3A_275] : memref<4x128xi32, #tpu.memory_space<vmem>> -> memref<1x128xi32, #tpu.memory_space<vmem>>
    %dma_wait3A_277 = tpu.memref_squeeze %dma_wait3A_276 : memref<1x128xi32, #tpu.memory_space<vmem>> -> memref<128xi32, #tpu.memory_space<vmem>>
    %dma_wait3A_278 = arith.constant 0 : i32
    %dma_wait3A_279 = arith.constant 0 : i32
    %dma_wait3A_280 = tpu.memref_slice %arg3[%dma_wait3A_278, %dma_wait3A_279] : memref<131072x128xf32, #tpu.memory_space<hbm>> -> memref<131072x128xf32, #tpu.memory_space<hbm>>
    tpu.wait_indirect_dma semaphore(%arg11 : memref<!tpu.dma_semaphore, #tpu.memory_space<semaphore_mem>>) src(%dma_wait3A_280 : memref<131072x128xf32, #tpu.memory_space<hbm>>) dst(%dma_wait3A_274 : memref<128x128xf32, #tpu.memory_space<vmem>>)
    %dma_wait3A_281 = arith.constant 2 : i32
    %dma_wait3A_282 = arith.constant 2 : i32
    %dma_wait3A_283 = arith.constant 0 : i32
    %dma_wait3A_284 = arith.constant 0 : i32
    %dma_wait3A_285 = tpu.memref_slice %arg10[%dma_wait3A_282, %dma_wait3A_283, %dma_wait3A_284] : memref<4x128x128xf32, #tpu.memory_space<vmem>> -> memref<1x128x128xf32, #tpu.memory_space<vmem>>
    %dma_wait3A_286 = tpu.memref_squeeze %dma_wait3A_285 : memref<1x128x128xf32, #tpu.memory_space<vmem>> -> memref<128x128xf32, #tpu.memory_space<vmem>>
    %dma_wait3A_287 = arith.constant 0 : i32
    %dma_wait3A_288 = tpu.memref_slice %arg9[%dma_wait3A_281, %dma_wait3A_287] : memref<4x128xi32, #tpu.memory_space<vmem>> -> memref<1x128xi32, #tpu.memory_space<vmem>>
    %dma_wait3A_289 = tpu.memref_squeeze %dma_wait3A_288 : memref<1x128xi32, #tpu.memory_space<vmem>> -> memref<128xi32, #tpu.memory_space<vmem>>
    %dma_wait3A_290 = arith.constant 0 : i32
    %dma_wait3A_291 = arith.constant 0 : i32
    %dma_wait3A_292 = tpu.memref_slice %arg3[%dma_wait3A_290, %dma_wait3A_291] : memref<131072x128xf32, #tpu.memory_space<hbm>> -> memref<131072x128xf32, #tpu.memory_space<hbm>>
    tpu.wait_indirect_dma semaphore(%arg11 : memref<!tpu.dma_semaphore, #tpu.memory_space<semaphore_mem>>) src(%dma_wait3A_292 : memref<131072x128xf32, #tpu.memory_space<hbm>>) dst(%dma_wait3A_286 : memref<128x128xf32, #tpu.memory_space<vmem>>)
    %dma_wait3A_293 = arith.constant 3 : i32
    %dma_wait3A_294 = arith.constant 3 : i32
    %dma_wait3A_295 = arith.constant 0 : i32
    %dma_wait3A_296 = arith.constant 0 : i32
    %dma_wait3A_297 = tpu.memref_slice %arg10[%dma_wait3A_294, %dma_wait3A_295, %dma_wait3A_296] : memref<4x128x128xf32, #tpu.memory_space<vmem>> -> memref<1x128x128xf32, #tpu.memory_space<vmem>>
    %dma_wait3A_298 = tpu.memref_squeeze %dma_wait3A_297 : memref<1x128x128xf32, #tpu.memory_space<vmem>> -> memref<128x128xf32, #tpu.memory_space<vmem>>
    %dma_wait3A_299 = arith.constant 0 : i32
    %dma_wait3A_300 = tpu.memref_slice %arg9[%dma_wait3A_293, %dma_wait3A_299] : memref<4x128xi32, #tpu.memory_space<vmem>> -> memref<1x128xi32, #tpu.memory_space<vmem>>
    %dma_wait3A_301 = tpu.memref_squeeze %dma_wait3A_300 : memref<1x128xi32, #tpu.memory_space<vmem>> -> memref<128xi32, #tpu.memory_space<vmem>>
    %dma_wait3A_302 = arith.constant 0 : i32
    %dma_wait3A_303 = arith.constant 0 : i32
    %dma_wait3A_304 = tpu.memref_slice %arg3[%dma_wait3A_302, %dma_wait3A_303] : memref<131072x128xf32, #tpu.memory_space<hbm>> -> memref<131072x128xf32, #tpu.memory_space<hbm>>
    tpu.wait_indirect_dma semaphore(%arg11 : memref<!tpu.dma_semaphore, #tpu.memory_space<semaphore_mem>>) src(%dma_wait3A_304 : memref<131072x128xf32, #tpu.memory_space<hbm>>) dst(%dma_wait3A_298 : memref<128x128xf32, #tpu.memory_space<vmem>>)
    %add3A_305 = arith.constant 0 : i32
    %add3A_306 = arith.addi %mul3A_2, %add3A_305 : i32
    %dma_start3A_307 = arith.constant 0 : i32
    %dma_start3A_308 = arith.constant 0 : i32
    %dma_start3A_309 = arith.constant 0 : i32
    %dma_start3A_310 = tpu.memref_slice %arg10[%dma_start3A_307, %dma_start3A_308, %dma_start3A_309] : memref<4x128x128xf32, #tpu.memory_space<vmem>> -> memref<1x128x128xf32, #tpu.memory_space<vmem>>
    %dma_start3A_311 = tpu.memref_squeeze %dma_start3A_310 : memref<1x128x128xf32, #tpu.memory_space<vmem>> -> memref<128x128xf32, #tpu.memory_space<vmem>>
    %dma_start3A_312 = arith.constant 0 : i32
    %dma_start3A_313 = tpu.memref_slice %arg7[%add3A_306, %dma_start3A_312] : memref<16384x128xf32, #tpu.memory_space<hbm>> -> memref<128x128xf32, #tpu.memory_space<hbm>>
    %dma_start3A_314 = arith.constant 0 : i32
    %dma_start3A_315 = tpu.memref_slice %arg7[%add3A_306, %dma_start3A_314] : memref<16384x128xf32, #tpu.memory_space<hbm>> -> memref<128x128xf32, #tpu.memory_space<hbm>>
    %dma_start3A_316 = arith.constant 0 : i32
    %dma_start3A_317 = arith.constant 0 : i32
    %dma_start3A_318 = tpu.memref_slice %arg10[%dma_start3A_307, %dma_start3A_316, %dma_start3A_317] : memref<4x128x128xf32, #tpu.memory_space<vmem>> -> memref<1x128x128xf32, #tpu.memory_space<vmem>>
    %dma_start3A_319 = tpu.memref_squeeze %dma_start3A_318 : memref<1x128x128xf32, #tpu.memory_space<vmem>> -> memref<128x128xf32, #tpu.memory_space<vmem>>
    tpu.enqueue_dma source(%dma_start3A_319 : memref<128x128xf32, #tpu.memory_space<vmem>>) target(%dma_start3A_315 : memref<128x128xf32, #tpu.memory_space<hbm>>) target_semaphore(%arg12 : memref<!tpu.dma_semaphore, #tpu.memory_space<semaphore_mem>>)
    %add3A_320 = arith.constant 128 : i32
    %add3A_321 = arith.addi %mul3A_2, %add3A_320 : i32
    %dma_start3A_322 = arith.constant 1 : i32
    %dma_start3A_323 = arith.constant 0 : i32
    %dma_start3A_324 = arith.constant 0 : i32
    %dma_start3A_325 = tpu.memref_slice %arg10[%dma_start3A_322, %dma_start3A_323, %dma_start3A_324] : memref<4x128x128xf32, #tpu.memory_space<vmem>> -> memref<1x128x128xf32, #tpu.memory_space<vmem>>
    %dma_start3A_326 = tpu.memref_squeeze %dma_start3A_325 : memref<1x128x128xf32, #tpu.memory_space<vmem>> -> memref<128x128xf32, #tpu.memory_space<vmem>>
    %dma_start3A_327 = arith.constant 0 : i32
    %dma_start3A_328 = tpu.memref_slice %arg7[%add3A_321, %dma_start3A_327] : memref<16384x128xf32, #tpu.memory_space<hbm>> -> memref<128x128xf32, #tpu.memory_space<hbm>>
    %dma_start3A_329 = arith.constant 0 : i32
    %dma_start3A_330 = tpu.memref_slice %arg7[%add3A_321, %dma_start3A_329] : memref<16384x128xf32, #tpu.memory_space<hbm>> -> memref<128x128xf32, #tpu.memory_space<hbm>>
    %dma_start3A_331 = arith.constant 0 : i32
    %dma_start3A_332 = arith.constant 0 : i32
    %dma_start3A_333 = tpu.memref_slice %arg10[%dma_start3A_322, %dma_start3A_331, %dma_start3A_332] : memref<4x128x128xf32, #tpu.memory_space<vmem>> -> memref<1x128x128xf32, #tpu.memory_space<vmem>>
    %dma_start3A_334 = tpu.memref_squeeze %dma_start3A_333 : memref<1x128x128xf32, #tpu.memory_space<vmem>> -> memref<128x128xf32, #tpu.memory_space<vmem>>
    tpu.enqueue_dma source(%dma_start3A_334 : memref<128x128xf32, #tpu.memory_space<vmem>>) target(%dma_start3A_330 : memref<128x128xf32, #tpu.memory_space<hbm>>) target_semaphore(%arg12 : memref<!tpu.dma_semaphore, #tpu.memory_space<semaphore_mem>>)
    %add3A_335 = arith.constant 256 : i32
    %add3A_336 = arith.addi %mul3A_2, %add3A_335 : i32
    %dma_start3A_337 = arith.constant 2 : i32
    %dma_start3A_338 = arith.constant 0 : i32
    %dma_start3A_339 = arith.constant 0 : i32
    %dma_start3A_340 = tpu.memref_slice %arg10[%dma_start3A_337, %dma_start3A_338, %dma_start3A_339] : memref<4x128x128xf32, #tpu.memory_space<vmem>> -> memref<1x128x128xf32, #tpu.memory_space<vmem>>
    %dma_start3A_341 = tpu.memref_squeeze %dma_start3A_340 : memref<1x128x128xf32, #tpu.memory_space<vmem>> -> memref<128x128xf32, #tpu.memory_space<vmem>>
    %dma_start3A_342 = arith.constant 0 : i32
    %dma_start3A_343 = tpu.memref_slice %arg7[%add3A_336, %dma_start3A_342] : memref<16384x128xf32, #tpu.memory_space<hbm>> -> memref<128x128xf32, #tpu.memory_space<hbm>>
    %dma_start3A_344 = arith.constant 0 : i32
    %dma_start3A_345 = tpu.memref_slice %arg7[%add3A_336, %dma_start3A_344] : memref<16384x128xf32, #tpu.memory_space<hbm>> -> memref<128x128xf32, #tpu.memory_space<hbm>>
    %dma_start3A_346 = arith.constant 0 : i32
    %dma_start3A_347 = arith.constant 0 : i32
    %dma_start3A_348 = tpu.memref_slice %arg10[%dma_start3A_337, %dma_start3A_346, %dma_start3A_347] : memref<4x128x128xf32, #tpu.memory_space<vmem>> -> memref<1x128x128xf32, #tpu.memory_space<vmem>>
    %dma_start3A_349 = tpu.memref_squeeze %dma_start3A_348 : memref<1x128x128xf32, #tpu.memory_space<vmem>> -> memref<128x128xf32, #tpu.memory_space<vmem>>
    tpu.enqueue_dma source(%dma_start3A_349 : memref<128x128xf32, #tpu.memory_space<vmem>>) target(%dma_start3A_345 : memref<128x128xf32, #tpu.memory_space<hbm>>) target_semaphore(%arg12 : memref<!tpu.dma_semaphore, #tpu.memory_space<semaphore_mem>>)
    %add3A_350 = arith.constant 384 : i32
    %add3A_351 = arith.addi %mul3A_2, %add3A_350 : i32
    %dma_start3A_352 = arith.constant 3 : i32
    %dma_start3A_353 = arith.constant 0 : i32
    %dma_start3A_354 = arith.constant 0 : i32
    %dma_start3A_355 = tpu.memref_slice %arg10[%dma_start3A_352, %dma_start3A_353, %dma_start3A_354] : memref<4x128x128xf32, #tpu.memory_space<vmem>> -> memref<1x128x128xf32, #tpu.memory_space<vmem>>
    %dma_start3A_356 = tpu.memref_squeeze %dma_start3A_355 : memref<1x128x128xf32, #tpu.memory_space<vmem>> -> memref<128x128xf32, #tpu.memory_space<vmem>>
    %dma_start3A_357 = arith.constant 0 : i32
    %dma_start3A_358 = tpu.memref_slice %arg7[%add3A_351, %dma_start3A_357] : memref<16384x128xf32, #tpu.memory_space<hbm>> -> memref<128x128xf32, #tpu.memory_space<hbm>>
    %dma_start3A_359 = arith.constant 0 : i32
    %dma_start3A_360 = tpu.memref_slice %arg7[%add3A_351, %dma_start3A_359] : memref<16384x128xf32, #tpu.memory_space<hbm>> -> memref<128x128xf32, #tpu.memory_space<hbm>>
    %dma_start3A_361 = arith.constant 0 : i32
    %dma_start3A_362 = arith.constant 0 : i32
    %dma_start3A_363 = tpu.memref_slice %arg10[%dma_start3A_352, %dma_start3A_361, %dma_start3A_362] : memref<4x128x128xf32, #tpu.memory_space<vmem>> -> memref<1x128x128xf32, #tpu.memory_space<vmem>>
    %dma_start3A_364 = tpu.memref_squeeze %dma_start3A_363 : memref<1x128x128xf32, #tpu.memory_space<vmem>> -> memref<128x128xf32, #tpu.memory_space<vmem>>
    tpu.enqueue_dma source(%dma_start3A_364 : memref<128x128xf32, #tpu.memory_space<vmem>>) target(%dma_start3A_360 : memref<128x128xf32, #tpu.memory_space<hbm>>) target_semaphore(%arg12 : memref<!tpu.dma_semaphore, #tpu.memory_space<semaphore_mem>>)
    %dma_wait3A_365 = arith.constant 0 : i32
    %dma_wait3A_366 = arith.constant 0 : i32
    %dma_wait3A_367 = arith.constant 0 : i32
    %dma_wait3A_368 = tpu.memref_slice %arg10[%dma_wait3A_365, %dma_wait3A_366, %dma_wait3A_367] : memref<4x128x128xf32, #tpu.memory_space<vmem>> -> memref<1x128x128xf32, #tpu.memory_space<vmem>>
    %dma_wait3A_369 = tpu.memref_squeeze %dma_wait3A_368 : memref<1x128x128xf32, #tpu.memory_space<vmem>> -> memref<128x128xf32, #tpu.memory_space<vmem>>
    %dma_wait3A_370 = arith.constant 0 : i32
    %dma_wait3A_371 = tpu.memref_slice %arg7[%add3A_306, %dma_wait3A_370] : memref<16384x128xf32, #tpu.memory_space<hbm>> -> memref<128x128xf32, #tpu.memory_space<hbm>>
    %dma_wait3A_372 = arith.constant 0 : i32
    %dma_wait3A_373 = tpu.memref_slice %arg7[%add3A_306, %dma_wait3A_372] : memref<16384x128xf32, #tpu.memory_space<hbm>> -> memref<128x128xf32, #tpu.memory_space<hbm>>
    %dma_wait3A_374 = arith.constant 0 : i32
    %dma_wait3A_375 = arith.constant 0 : i32
    %dma_wait3A_376 = tpu.memref_slice %arg10[%dma_wait3A_365, %dma_wait3A_374, %dma_wait3A_375] : memref<4x128x128xf32, #tpu.memory_space<vmem>> -> memref<1x128x128xf32, #tpu.memory_space<vmem>>
    %dma_wait3A_377 = tpu.memref_squeeze %dma_wait3A_376 : memref<1x128x128xf32, #tpu.memory_space<vmem>> -> memref<128x128xf32, #tpu.memory_space<vmem>>
    tpu.wait_dma2 semaphore(%arg12 : memref<!tpu.dma_semaphore, #tpu.memory_space<semaphore_mem>>) src(%dma_wait3A_377 : memref<128x128xf32, #tpu.memory_space<vmem>>) dst(%dma_wait3A_373 : memref<128x128xf32, #tpu.memory_space<hbm>>)
    %dma_wait3A_378 = arith.constant 1 : i32
    %dma_wait3A_379 = arith.constant 0 : i32
    %dma_wait3A_380 = arith.constant 0 : i32
    %dma_wait3A_381 = tpu.memref_slice %arg10[%dma_wait3A_378, %dma_wait3A_379, %dma_wait3A_380] : memref<4x128x128xf32, #tpu.memory_space<vmem>> -> memref<1x128x128xf32, #tpu.memory_space<vmem>>
    %dma_wait3A_382 = tpu.memref_squeeze %dma_wait3A_381 : memref<1x128x128xf32, #tpu.memory_space<vmem>> -> memref<128x128xf32, #tpu.memory_space<vmem>>
    %dma_wait3A_383 = arith.constant 0 : i32
    %dma_wait3A_384 = tpu.memref_slice %arg7[%add3A_321, %dma_wait3A_383] : memref<16384x128xf32, #tpu.memory_space<hbm>> -> memref<128x128xf32, #tpu.memory_space<hbm>>
    %dma_wait3A_385 = arith.constant 0 : i32
    %dma_wait3A_386 = tpu.memref_slice %arg7[%add3A_321, %dma_wait3A_385] : memref<16384x128xf32, #tpu.memory_space<hbm>> -> memref<128x128xf32, #tpu.memory_space<hbm>>
    %dma_wait3A_387 = arith.constant 0 : i32
    %dma_wait3A_388 = arith.constant 0 : i32
    %dma_wait3A_389 = tpu.memref_slice %arg10[%dma_wait3A_378, %dma_wait3A_387, %dma_wait3A_388] : memref<4x128x128xf32, #tpu.memory_space<vmem>> -> memref<1x128x128xf32, #tpu.memory_space<vmem>>
    %dma_wait3A_390 = tpu.memref_squeeze %dma_wait3A_389 : memref<1x128x128xf32, #tpu.memory_space<vmem>> -> memref<128x128xf32, #tpu.memory_space<vmem>>
    tpu.wait_dma2 semaphore(%arg12 : memref<!tpu.dma_semaphore, #tpu.memory_space<semaphore_mem>>) src(%dma_wait3A_390 : memref<128x128xf32, #tpu.memory_space<vmem>>) dst(%dma_wait3A_386 : memref<128x128xf32, #tpu.memory_space<hbm>>)
    %dma_wait3A_391 = arith.constant 2 : i32
    %dma_wait3A_392 = arith.constant 0 : i32
    %dma_wait3A_393 = arith.constant 0 : i32
    %dma_wait3A_394 = tpu.memref_slice %arg10[%dma_wait3A_391, %dma_wait3A_392, %dma_wait3A_393] : memref<4x128x128xf32, #tpu.memory_space<vmem>> -> memref<1x128x128xf32, #tpu.memory_space<vmem>>
    %dma_wait3A_395 = tpu.memref_squeeze %dma_wait3A_394 : memref<1x128x128xf32, #tpu.memory_space<vmem>> -> memref<128x128xf32, #tpu.memory_space<vmem>>
    %dma_wait3A_396 = arith.constant 0 : i32
    %dma_wait3A_397 = tpu.memref_slice %arg7[%add3A_336, %dma_wait3A_396] : memref<16384x128xf32, #tpu.memory_space<hbm>> -> memref<128x128xf32, #tpu.memory_space<hbm>>
    %dma_wait3A_398 = arith.constant 0 : i32
    %dma_wait3A_399 = tpu.memref_slice %arg7[%add3A_336, %dma_wait3A_398] : memref<16384x128xf32, #tpu.memory_space<hbm>> -> memref<128x128xf32, #tpu.memory_space<hbm>>
    %dma_wait3A_400 = arith.constant 0 : i32
    %dma_wait3A_401 = arith.constant 0 : i32
    %dma_wait3A_402 = tpu.memref_slice %arg10[%dma_wait3A_391, %dma_wait3A_400, %dma_wait3A_401] : memref<4x128x128xf32, #tpu.memory_space<vmem>> -> memref<1x128x128xf32, #tpu.memory_space<vmem>>
    %dma_wait3A_403 = tpu.memref_squeeze %dma_wait3A_402 : memref<1x128x128xf32, #tpu.memory_space<vmem>> -> memref<128x128xf32, #tpu.memory_space<vmem>>
    tpu.wait_dma2 semaphore(%arg12 : memref<!tpu.dma_semaphore, #tpu.memory_space<semaphore_mem>>) src(%dma_wait3A_403 : memref<128x128xf32, #tpu.memory_space<vmem>>) dst(%dma_wait3A_399 : memref<128x128xf32, #tpu.memory_space<hbm>>)
    %dma_wait3A_404 = arith.constant 3 : i32
    %dma_wait3A_405 = arith.constant 0 : i32
    %dma_wait3A_406 = arith.constant 0 : i32
    %dma_wait3A_407 = tpu.memref_slice %arg10[%dma_wait3A_404, %dma_wait3A_405, %dma_wait3A_406] : memref<4x128x128xf32, #tpu.memory_space<vmem>> -> memref<1x128x128xf32, #tpu.memory_space<vmem>>
    %dma_wait3A_408 = tpu.memref_squeeze %dma_wait3A_407 : memref<1x128x128xf32, #tpu.memory_space<vmem>> -> memref<128x128xf32, #tpu.memory_space<vmem>>
    %dma_wait3A_409 = arith.constant 0 : i32
    %dma_wait3A_410 = tpu.memref_slice %arg7[%add3A_351, %dma_wait3A_409] : memref<16384x128xf32, #tpu.memory_space<hbm>> -> memref<128x128xf32, #tpu.memory_space<hbm>>
    %dma_wait3A_411 = arith.constant 0 : i32
    %dma_wait3A_412 = tpu.memref_slice %arg7[%add3A_351, %dma_wait3A_411] : memref<16384x128xf32, #tpu.memory_space<hbm>> -> memref<128x128xf32, #tpu.memory_space<hbm>>
    %dma_wait3A_413 = arith.constant 0 : i32
    %dma_wait3A_414 = arith.constant 0 : i32
    %dma_wait3A_415 = tpu.memref_slice %arg10[%dma_wait3A_404, %dma_wait3A_413, %dma_wait3A_414] : memref<4x128x128xf32, #tpu.memory_space<vmem>> -> memref<1x128x128xf32, #tpu.memory_space<vmem>>
    %dma_wait3A_416 = tpu.memref_squeeze %dma_wait3A_415 : memref<1x128x128xf32, #tpu.memory_space<vmem>> -> memref<128x128xf32, #tpu.memory_space<vmem>>
    tpu.wait_dma2 semaphore(%arg12 : memref<!tpu.dma_semaphore, #tpu.memory_space<semaphore_mem>>) src(%dma_wait3A_416 : memref<128x128xf32, #tpu.memory_space<vmem>>) dst(%dma_wait3A_412 : memref<128x128xf32, #tpu.memory_space<hbm>>)
    return
  }
}

module attributes {stable_mosaic.version = 14 : i64} {
  func.func @_relayout_body(%arg0: i32, %arg1: memref<32x4096xf32, #tpu.memory_space<vmem>>, %arg2: memref<32x4096xf32, #tpu.memory_space<vmem>>, %arg3: memref<32x4096xf32, #tpu.memory_space<vmem>>, %arg4: memref<32x4096xf32, #tpu.memory_space<vmem>>, %arg5: memref<32x4096xf32, #tpu.memory_space<vmem>>, %arg6: memref<32x4096xf32, #tpu.memory_space<vmem>>, %arg7: memref<32x4096xf32, #tpu.memory_space<vmem>>, %arg8: memref<32x4096xf32, #tpu.memory_space<vmem>>, %arg9: memref<32x4096xf32, #tpu.memory_space<vmem>>, %arg10: memref<32x4096xf32, #tpu.memory_space<vmem>>, %arg11: memref<32x4096xf32, #tpu.memory_space<vmem>>, %arg12: memref<32x4096xf32, #tpu.memory_space<vmem>>, %arg13: memref<32x4096xf32, #tpu.memory_space<vmem>>, %arg14: memref<32x4096xf32, #tpu.memory_space<vmem>>, %arg15: memref<32x4096xf32, #tpu.memory_space<vmem>>, %arg16: memref<32x4096xf32, #tpu.memory_space<vmem>>, %arg17: memref<4096x128xf32, #tpu.memory_space<vmem>>, %arg18: memref<4096x128xf32, #tpu.memory_space<vmem>>) attributes {dimension_semantics = [#tpu.dimension_semantics<parallel>], iteration_bounds = array<i64: 32>, scalar_prefetch = 0 : i64, scratch_operands = 0 : i64, tpu.core_type = #tpu.core_type<tc>, window_params = [{transform_indices = @transform_0, window_bounds = array<i64: 32, 4096>}, {transform_indices = @transform_1, window_bounds = array<i64: 32, 4096>}, {transform_indices = @transform_2, window_bounds = array<i64: 32, 4096>}, {transform_indices = @transform_3, window_bounds = array<i64: 32, 4096>}, {transform_indices = @transform_4, window_bounds = array<i64: 32, 4096>}, {transform_indices = @transform_5, window_bounds = array<i64: 32, 4096>}, {transform_indices = @transform_6, window_bounds = array<i64: 32, 4096>}, {transform_indices = @transform_7, window_bounds = array<i64: 32, 4096>}, {transform_indices = @transform_8, window_bounds = array<i64: 32, 4096>}, {transform_indices = @transform_9, window_bounds = array<i64: 32, 4096>}, {transform_indices = @transform_10, window_bounds = array<i64: 32, 4096>}, {transform_indices = @transform_11, window_bounds = array<i64: 32, 4096>}, {transform_indices = @transform_12, window_bounds = array<i64: 32, 4096>}, {transform_indices = @transform_13, window_bounds = array<i64: 32, 4096>}, {transform_indices = @transform_14, window_bounds = array<i64: 32, 4096>}, {transform_indices = @transform_15, window_bounds = array<i64: 32, 4096>}, {transform_indices = @transform_16, window_bounds = array<i64: 4096, 128>}, {transform_indices = @transform_17, window_bounds = array<i64: 4096, 128>}]} {
    %get3A = arith.constant 0 : index
    %get3A_0 = arith.constant 0 : index
    %get3A_1 = vector.load %arg1[%get3A, %get3A_0] : memref<32x4096xf32, #tpu.memory_space<vmem>>, vector<32x4096xf32>
    %get3A_2 = arith.constant 0 : index
    %get3A_3 = arith.constant 0 : index
    %get3A_4 = vector.load %arg2[%get3A_2, %get3A_3] : memref<32x4096xf32, #tpu.memory_space<vmem>>, vector<32x4096xf32>
    %get3A_5 = arith.constant 0 : index
    %get3A_6 = arith.constant 0 : index
    %get3A_7 = vector.load %arg3[%get3A_5, %get3A_6] : memref<32x4096xf32, #tpu.memory_space<vmem>>, vector<32x4096xf32>
    %get3A_8 = arith.constant 0 : index
    %get3A_9 = arith.constant 0 : index
    %get3A_10 = vector.load %arg4[%get3A_8, %get3A_9] : memref<32x4096xf32, #tpu.memory_space<vmem>>, vector<32x4096xf32>
    %concatenate3A = tpu.concatenate %get3A_1, %get3A_4, %get3A_7, %get3A_10 in 0 : vector<32x4096xf32>, vector<32x4096xf32>, vector<32x4096xf32>, vector<32x4096xf32> -> vector<128x4096xf32>
    %get3A_11 = arith.constant 0 : index
    %get3A_12 = arith.constant 0 : index
    %get3A_13 = vector.load %arg5[%get3A_11, %get3A_12] : memref<32x4096xf32, #tpu.memory_space<vmem>>, vector<32x4096xf32>
    %get3A_14 = arith.constant 0 : index
    %get3A_15 = arith.constant 0 : index
    %get3A_16 = vector.load %arg6[%get3A_14, %get3A_15] : memref<32x4096xf32, #tpu.memory_space<vmem>>, vector<32x4096xf32>
    %get3A_17 = arith.constant 0 : index
    %get3A_18 = arith.constant 0 : index
    %get3A_19 = vector.load %arg7[%get3A_17, %get3A_18] : memref<32x4096xf32, #tpu.memory_space<vmem>>, vector<32x4096xf32>
    %get3A_20 = arith.constant 0 : index
    %get3A_21 = arith.constant 0 : index
    %get3A_22 = vector.load %arg8[%get3A_20, %get3A_21] : memref<32x4096xf32, #tpu.memory_space<vmem>>, vector<32x4096xf32>
    %concatenate3A_23 = tpu.concatenate %get3A_13, %get3A_16, %get3A_19, %get3A_22 in 0 : vector<32x4096xf32>, vector<32x4096xf32>, vector<32x4096xf32>, vector<32x4096xf32> -> vector<128x4096xf32>
    %bitcast_convert_type3A = tpu.bitcast %concatenate3A : vector<128x4096xf32> -> vector<128x4096xi32>
    %add3A = arith.constant 32767 : i32
    %add3A_24 = vector.broadcast %add3A : i32 to vector<128x4096xi32>
    %add3A_25 = arith.addi %bitcast_convert_type3A, %add3A_24 : vector<128x4096xi32>
    %shift_right_logical3A = arith.constant 16 : i32
    %shift_right_logical3A_26 = vector.broadcast %shift_right_logical3A : i32 to vector<128x4096xi32>
    %shift_right_logical3A_27 = arith.shrui %bitcast_convert_type3A, %shift_right_logical3A_26 : vector<128x4096xi32>
    %and3A = arith.constant 1 : i32
    %and3A_28 = vector.broadcast %and3A : i32 to vector<128x4096xi32>
    %and3A_29 = arith.andi %shift_right_logical3A_27, %and3A_28 : vector<128x4096xi32>
    %add3A_30 = arith.addi %add3A_25, %and3A_29 : vector<128x4096xi32>
    %and3A_31 = arith.constant -65536 : i32
    %and3A_32 = vector.broadcast %and3A_31 : i32 to vector<128x4096xi32>
    %and3A_33 = arith.andi %add3A_30, %and3A_32 : vector<128x4096xi32>
    %bitcast_convert_type3A_34 = tpu.bitcast %concatenate3A_23 : vector<128x4096xf32> -> vector<128x4096xi32>
    %add3A_35 = arith.constant 32767 : i32
    %add3A_36 = vector.broadcast %add3A_35 : i32 to vector<128x4096xi32>
    %add3A_37 = arith.addi %bitcast_convert_type3A_34, %add3A_36 : vector<128x4096xi32>
    %shift_right_logical3A_38 = arith.constant 16 : i32
    %shift_right_logical3A_39 = vector.broadcast %shift_right_logical3A_38 : i32 to vector<128x4096xi32>
    %shift_right_logical3A_40 = arith.shrui %bitcast_convert_type3A_34, %shift_right_logical3A_39 : vector<128x4096xi32>
    %and3A_41 = arith.constant 1 : i32
    %and3A_42 = vector.broadcast %and3A_41 : i32 to vector<128x4096xi32>
    %and3A_43 = arith.andi %shift_right_logical3A_40, %and3A_42 : vector<128x4096xi32>
    %add3A_44 = arith.addi %add3A_37, %and3A_43 : vector<128x4096xi32>
    %and3A_45 = arith.constant -65536 : i32
    %and3A_46 = vector.broadcast %and3A_45 : i32 to vector<128x4096xi32>
    %and3A_47 = arith.andi %add3A_44, %and3A_46 : vector<128x4096xi32>
    %shift_right_logical3A_48 = arith.constant 16 : i32
    %shift_right_logical3A_49 = vector.broadcast %shift_right_logical3A_48 : i32 to vector<128x4096xi32>
    %shift_right_logical3A_50 = arith.shrui %and3A_47, %shift_right_logical3A_49 : vector<128x4096xi32>
    %or3A = arith.ori %and3A_33, %shift_right_logical3A_50 : vector<128x4096xi32>
    %transpose3A = tpu.transpose %or3A, [1, 0] : vector<128x4096xi32> -> vector<4096x128xi32>
    %bitcast_convert_type3A_51 = tpu.bitcast %transpose3A : vector<4096x128xi32> -> vector<4096x128xf32>
    %swap3A = arith.constant 0 : index
    %swap3A_52 = arith.constant 0 : index
    %swap3A_53 = vector.load %arg17[%swap3A, %swap3A_52] : memref<4096x128xf32, #tpu.memory_space<vmem>>, vector<4096x128xf32>
    tpu.vector_store %arg17[%swap3A, %swap3A_52], %bitcast_convert_type3A_51 {strides = array<i32>} : memref<4096x128xf32, #tpu.memory_space<vmem>>, vector<4096x128xf32>,
    %get3A_54 = arith.constant 0 : index
    %get3A_55 = arith.constant 0 : index
    %get3A_56 = vector.load %arg9[%get3A_54, %get3A_55] : memref<32x4096xf32, #tpu.memory_space<vmem>>, vector<32x4096xf32>
    %get3A_57 = arith.constant 0 : index
    %get3A_58 = arith.constant 0 : index
    %get3A_59 = vector.load %arg10[%get3A_57, %get3A_58] : memref<32x4096xf32, #tpu.memory_space<vmem>>, vector<32x4096xf32>
    %get3A_60 = arith.constant 0 : index
    %get3A_61 = arith.constant 0 : index
    %get3A_62 = vector.load %arg11[%get3A_60, %get3A_61] : memref<32x4096xf32, #tpu.memory_space<vmem>>, vector<32x4096xf32>
    %get3A_63 = arith.constant 0 : index
    %get3A_64 = arith.constant 0 : index
    %get3A_65 = vector.load %arg12[%get3A_63, %get3A_64] : memref<32x4096xf32, #tpu.memory_space<vmem>>, vector<32x4096xf32>
    %concatenate3A_66 = tpu.concatenate %get3A_56, %get3A_59, %get3A_62, %get3A_65 in 0 : vector<32x4096xf32>, vector<32x4096xf32>, vector<32x4096xf32>, vector<32x4096xf32> -> vector<128x4096xf32>
    %get3A_67 = arith.constant 0 : index
    %get3A_68 = arith.constant 0 : index
    %get3A_69 = vector.load %arg13[%get3A_67, %get3A_68] : memref<32x4096xf32, #tpu.memory_space<vmem>>, vector<32x4096xf32>
    %get3A_70 = arith.constant 0 : index
    %get3A_71 = arith.constant 0 : index
    %get3A_72 = vector.load %arg14[%get3A_70, %get3A_71] : memref<32x4096xf32, #tpu.memory_space<vmem>>, vector<32x4096xf32>
    %get3A_73 = arith.constant 0 : index
    %get3A_74 = arith.constant 0 : index
    %get3A_75 = vector.load %arg15[%get3A_73, %get3A_74] : memref<32x4096xf32, #tpu.memory_space<vmem>>, vector<32x4096xf32>
    %get3A_76 = arith.constant 0 : index
    %get3A_77 = arith.constant 0 : index
    %get3A_78 = vector.load %arg16[%get3A_76, %get3A_77] : memref<32x4096xf32, #tpu.memory_space<vmem>>, vector<32x4096xf32>
    %concatenate3A_79 = tpu.concatenate %get3A_69, %get3A_72, %get3A_75, %get3A_78 in 0 : vector<32x4096xf32>, vector<32x4096xf32>, vector<32x4096xf32>, vector<32x4096xf32> -> vector<128x4096xf32>
    %bitcast_convert_type3A_80 = tpu.bitcast %concatenate3A_66 : vector<128x4096xf32> -> vector<128x4096xi32>
    %add3A_81 = arith.constant 32767 : i32
    %add3A_82 = vector.broadcast %add3A_81 : i32 to vector<128x4096xi32>
    %add3A_83 = arith.addi %bitcast_convert_type3A_80, %add3A_82 : vector<128x4096xi32>
    %shift_right_logical3A_84 = arith.constant 16 : i32
    %shift_right_logical3A_85 = vector.broadcast %shift_right_logical3A_84 : i32 to vector<128x4096xi32>
    %shift_right_logical3A_86 = arith.shrui %bitcast_convert_type3A_80, %shift_right_logical3A_85 : vector<128x4096xi32>
    %and3A_87 = arith.constant 1 : i32
    %and3A_88 = vector.broadcast %and3A_87 : i32 to vector<128x4096xi32>
    %and3A_89 = arith.andi %shift_right_logical3A_86, %and3A_88 : vector<128x4096xi32>
    %add3A_90 = arith.addi %add3A_83, %and3A_89 : vector<128x4096xi32>
    %and3A_91 = arith.constant -65536 : i32
    %and3A_92 = vector.broadcast %and3A_91 : i32 to vector<128x4096xi32>
    %and3A_93 = arith.andi %add3A_90, %and3A_92 : vector<128x4096xi32>
    %bitcast_convert_type3A_94 = tpu.bitcast %concatenate3A_79 : vector<128x4096xf32> -> vector<128x4096xi32>
    %add3A_95 = arith.constant 32767 : i32
    %add3A_96 = vector.broadcast %add3A_95 : i32 to vector<128x4096xi32>
    %add3A_97 = arith.addi %bitcast_convert_type3A_94, %add3A_96 : vector<128x4096xi32>
    %shift_right_logical3A_98 = arith.constant 16 : i32
    %shift_right_logical3A_99 = vector.broadcast %shift_right_logical3A_98 : i32 to vector<128x4096xi32>
    %shift_right_logical3A_100 = arith.shrui %bitcast_convert_type3A_94, %shift_right_logical3A_99 : vector<128x4096xi32>
    %and3A_101 = arith.constant 1 : i32
    %and3A_102 = vector.broadcast %and3A_101 : i32 to vector<128x4096xi32>
    %and3A_103 = arith.andi %shift_right_logical3A_100, %and3A_102 : vector<128x4096xi32>
    %add3A_104 = arith.addi %add3A_97, %and3A_103 : vector<128x4096xi32>
    %and3A_105 = arith.constant -65536 : i32
    %and3A_106 = vector.broadcast %and3A_105 : i32 to vector<128x4096xi32>
    %and3A_107 = arith.andi %add3A_104, %and3A_106 : vector<128x4096xi32>
    %shift_right_logical3A_108 = arith.constant 16 : i32
    %shift_right_logical3A_109 = vector.broadcast %shift_right_logical3A_108 : i32 to vector<128x4096xi32>
    %shift_right_logical3A_110 = arith.shrui %and3A_107, %shift_right_logical3A_109 : vector<128x4096xi32>
    %or3A_111 = arith.ori %and3A_93, %shift_right_logical3A_110 : vector<128x4096xi32>
    %transpose3A_112 = tpu.transpose %or3A_111, [1, 0] : vector<128x4096xi32> -> vector<4096x128xi32>
    %bitcast_convert_type3A_113 = tpu.bitcast %transpose3A_112 : vector<4096x128xi32> -> vector<4096x128xf32>
    %swap3A_114 = arith.constant 0 : index
    %swap3A_115 = arith.constant 0 : index
    %swap3A_116 = vector.load %arg18[%swap3A_114, %swap3A_115] : memref<4096x128xf32, #tpu.memory_space<vmem>>, vector<4096x128xf32>
    tpu.vector_store %arg18[%swap3A_114, %swap3A_115], %bitcast_convert_type3A_113 {strides = array<i32>} : memref<4096x128xf32, #tpu.memory_space<vmem>>, vector<4096x128xf32>,
    return
  }
  func.func @transform_0(%arg0: i32) -> (i32, i32) {
    %add3A = arith.constant 0 : i32
    %add3A_0 = arith.addi %add3A, %arg0 : i32
    %min3A = arith.constant 244 : i32
    %min3A_1 = arith.minsi %add3A_0, %min3A : i32
    %c0_i32 = arith.constant 0 : i32
    %c0_i32_2 = arith.constant 0 : i32
    return %c0_i32, %min3A_1 : i32, i32
  }
  func.func @transform_1(%arg0: i32) -> (i32, i32) {
    %add3A = arith.constant 32 : i32
    %add3A_0 = arith.addi %add3A, %arg0 : i32
    %min3A = arith.constant 244 : i32
    %min3A_1 = arith.minsi %add3A_0, %min3A : i32
    %c0_i32 = arith.constant 0 : i32
    %c0_i32_2 = arith.constant 0 : i32
    return %c0_i32, %min3A_1 : i32, i32
  }
  func.func @transform_2(%arg0: i32) -> (i32, i32) {
    %add3A = arith.constant 64 : i32
    %add3A_0 = arith.addi %add3A, %arg0 : i32
    %min3A = arith.constant 244 : i32
    %min3A_1 = arith.minsi %add3A_0, %min3A : i32
    %c0_i32 = arith.constant 0 : i32
    %c0_i32_2 = arith.constant 0 : i32
    return %c0_i32, %min3A_1 : i32, i32
  }
  func.func @transform_3(%arg0: i32) -> (i32, i32) {
    %add3A = arith.constant 96 : i32
    %add3A_0 = arith.addi %add3A, %arg0 : i32
    %min3A = arith.constant 244 : i32
    %min3A_1 = arith.minsi %add3A_0, %min3A : i32
    %c0_i32 = arith.constant 0 : i32
    %c0_i32_2 = arith.constant 0 : i32
    return %c0_i32, %min3A_1 : i32, i32
  }
  func.func @transform_4(%arg0: i32) -> (i32, i32) {
    %add3A = arith.constant 128 : i32
    %add3A_0 = arith.addi %add3A, %arg0 : i32
    %min3A = arith.constant 244 : i32
    %min3A_1 = arith.minsi %add3A_0, %min3A : i32
    %c0_i32 = arith.constant 0 : i32
    %c0_i32_2 = arith.constant 0 : i32
    return %c0_i32, %min3A_1 : i32, i32
  }
  func.func @transform_5(%arg0: i32) -> (i32, i32) {
    %add3A = arith.constant 160 : i32
    %add3A_0 = arith.addi %add3A, %arg0 : i32
    %min3A = arith.constant 244 : i32
    %min3A_1 = arith.minsi %add3A_0, %min3A : i32
    %c0_i32 = arith.constant 0 : i32
    %c0_i32_2 = arith.constant 0 : i32
    return %c0_i32, %min3A_1 : i32, i32
  }
  func.func @transform_6(%arg0: i32) -> (i32, i32) {
    %add3A = arith.constant 192 : i32
    %add3A_0 = arith.addi %add3A, %arg0 : i32
    %min3A = arith.constant 244 : i32
    %min3A_1 = arith.minsi %add3A_0, %min3A : i32
    %c0_i32 = arith.constant 0 : i32
    %c0_i32_2 = arith.constant 0 : i32
    return %c0_i32, %min3A_1 : i32, i32
  }
  func.func @transform_7(%arg0: i32) -> (i32, i32) {
    %add3A = arith.constant 224 : i32
    %add3A_0 = arith.addi %add3A, %arg0 : i32
    %min3A = arith.constant 244 : i32
    %min3A_1 = arith.minsi %add3A_0, %min3A : i32
    %c0_i32 = arith.constant 0 : i32
    %c0_i32_2 = arith.constant 0 : i32
    return %c0_i32, %min3A_1 : i32, i32
  }
  func.func @transform_8(%arg0: i32) -> (i32, i32) {
    %add3A = arith.constant 0 : i32
    %add3A_0 = arith.addi %add3A, %arg0 : i32
    %min3A = arith.constant 244 : i32
    %min3A_1 = arith.minsi %add3A_0, %min3A : i32
    %c0_i32 = arith.constant 0 : i32
    %c0_i32_2 = arith.constant 0 : i32
    return %c0_i32, %min3A_1 : i32, i32
  }
  func.func @transform_9(%arg0: i32) -> (i32, i32) {
    %add3A = arith.constant 32 : i32
    %add3A_0 = arith.addi %add3A, %arg0 : i32
    %min3A = arith.constant 244 : i32
    %min3A_1 = arith.minsi %add3A_0, %min3A : i32
    %c0_i32 = arith.constant 0 : i32
    %c0_i32_2 = arith.constant 0 : i32
    return %c0_i32, %min3A_1 : i32, i32
  }
  func.func @transform_10(%arg0: i32) -> (i32, i32) {
    %add3A = arith.constant 64 : i32
    %add3A_0 = arith.addi %add3A, %arg0 : i32
    %min3A = arith.constant 244 : i32
    %min3A_1 = arith.minsi %add3A_0, %min3A : i32
    %c0_i32 = arith.constant 0 : i32
    %c0_i32_2 = arith.constant 0 : i32
    return %c0_i32, %min3A_1 : i32, i32
  }
  func.func @transform_11(%arg0: i32) -> (i32, i32) {
    %add3A = arith.constant 96 : i32
    %add3A_0 = arith.addi %add3A, %arg0 : i32
    %min3A = arith.constant 244 : i32
    %min3A_1 = arith.minsi %add3A_0, %min3A : i32
    %c0_i32 = arith.constant 0 : i32
    %c0_i32_2 = arith.constant 0 : i32
    return %c0_i32, %min3A_1 : i32, i32
  }
  func.func @transform_12(%arg0: i32) -> (i32, i32) {
    %add3A = arith.constant 128 : i32
    %add3A_0 = arith.addi %add3A, %arg0 : i32
    %min3A = arith.constant 244 : i32
    %min3A_1 = arith.minsi %add3A_0, %min3A : i32
    %c0_i32 = arith.constant 0 : i32
    %c0_i32_2 = arith.constant 0 : i32
    return %c0_i32, %min3A_1 : i32, i32
  }
  func.func @transform_13(%arg0: i32) -> (i32, i32) {
    %add3A = arith.constant 160 : i32
    %add3A_0 = arith.addi %add3A, %arg0 : i32
    %min3A = arith.constant 244 : i32
    %min3A_1 = arith.minsi %add3A_0, %min3A : i32
    %c0_i32 = arith.constant 0 : i32
    %c0_i32_2 = arith.constant 0 : i32
    return %c0_i32, %min3A_1 : i32, i32
  }
  func.func @transform_14(%arg0: i32) -> (i32, i32) {
    %add3A = arith.constant 192 : i32
    %add3A_0 = arith.addi %add3A, %arg0 : i32
    %min3A = arith.constant 244 : i32
    %min3A_1 = arith.minsi %add3A_0, %min3A : i32
    %c0_i32 = arith.constant 0 : i32
    %c0_i32_2 = arith.constant 0 : i32
    return %c0_i32, %min3A_1 : i32, i32
  }
  func.func @transform_15(%arg0: i32) -> (i32, i32) {
    %add3A = arith.constant 224 : i32
    %add3A_0 = arith.addi %add3A, %arg0 : i32
    %min3A = arith.constant 244 : i32
    %min3A_1 = arith.minsi %add3A_0, %min3A : i32
    %c0_i32 = arith.constant 0 : i32
    %c0_i32_2 = arith.constant 0 : i32
    return %c0_i32, %min3A_1 : i32, i32
  }
  func.func @transform_16(%arg0: i32) -> (i32, i32) {
    %c0_i32 = arith.constant 0 : i32
    %c0_i32_0 = arith.constant 0 : i32
    return %arg0, %c0_i32 : i32, i32
  }
  func.func @transform_17(%arg0: i32) -> (i32, i32) {
    %c0_i32 = arith.constant 0 : i32
    %c0_i32_0 = arith.constant 0 : i32
    return %arg0, %c0_i32 : i32, i32
  }
}

module attributes {stable_mosaic.version = 14 : i64} {
  func.func @_mlp_body(%arg0: i32, %arg1: memref<2048x128xf32, #tpu.memory_space<vmem>>, %arg2: memref<2048x128xf32, #tpu.memory_space<vmem>>, %arg3: memref<2048x1xf32, #tpu.memory_space<vmem>>, %arg4: memref<2048x1xf32, #tpu.memory_space<vmem>>, %arg5: memref<128x128xf32, #tpu.memory_space<vmem>>, %arg6: memref<128x128xf32, #tpu.memory_space<vmem>>, %arg7: memref<1x128xf32, #tpu.memory_space<vmem>>, %arg8: memref<128x1xf32, #tpu.memory_space<vmem>>, %arg9: memref<1xf32, #tpu.memory_space<smem>>, %arg10: memref<2048x1xf32, #tpu.memory_space<vmem>>) attributes {dimension_semantics = [#tpu.dimension_semantics<arbitrary>], iteration_bounds = array<i64: 8>, scalar_prefetch = 0 : i64, scratch_operands = 0 : i64, tpu.core_type = #tpu.core_type<tc>, window_params = [{transform_indices = @transform_0, window_bounds = array<i64: 2048, 128>}, {transform_indices = @transform_1, window_bounds = array<i64: 2048, 128>}, {transform_indices = @transform_2, window_bounds = array<i64: 2048, 1>}, {transform_indices = @transform_3, window_bounds = array<i64: 2048, 1>}, {pipeline_mode = #tpu.pipeline_mode<synchronous>, transform_indices = @transform_4, window_bounds = array<i64: 128, 128>}, {pipeline_mode = #tpu.pipeline_mode<synchronous>, transform_indices = @transform_5, window_bounds = array<i64: 128, 128>}, {pipeline_mode = #tpu.pipeline_mode<synchronous>, transform_indices = @transform_6, window_bounds = array<i64: 1, 128>}, {pipeline_mode = #tpu.pipeline_mode<synchronous>, transform_indices = @transform_7, window_bounds = array<i64: 128, 1>}, {transform_indices = @transform_8, window_bounds = array<i64: 1>}, {transform_indices = @transform_9, window_bounds = array<i64: 2048, 1>}]} {
    %broadcast_in_dim3A = arith.constant 1.000000e+00 : f32
    %broadcast_in_dim3A_0 = vector.broadcast %broadcast_in_dim3A : f32 to vector<1x128xf32>
    %get3A = arith.constant 0 : index
    %get3A_1 = arith.constant 0 : index
    %get3A_2 = vector.load %arg3[%get3A, %get3A_1] : memref<2048x1xf32, #tpu.memory_space<vmem>>, vector<2048x1xf32>
    %dot_general3A = arith.constant dense<0.000000e+00> : vector<2048x128xf32>
    %dot_general3A_3 = tpu.matmul %get3A_2, %broadcast_in_dim3A_0, %dot_general3A {dimension_numbers = #tpu.dot_dimension_numbers<[1], [0], [0], [1], [0, 0, 1, 1], [], []>, transpose_lhs_hint = false} : vector<2048x1xf32>, vector<1x128xf32>, vector<2048x128xf32> -> vector<2048x128xf32>
    %get3A_4 = arith.constant 0 : index
    %get3A_5 = arith.constant 0 : index
    %get3A_6 = vector.load %arg4[%get3A_4, %get3A_5] : memref<2048x1xf32, #tpu.memory_space<vmem>>, vector<2048x1xf32>
    %dot_general3A_7 = arith.constant dense<0.000000e+00> : vector<2048x128xf32>
    %dot_general3A_8 = tpu.matmul %get3A_6, %broadcast_in_dim3A_0, %dot_general3A_7 {dimension_numbers = #tpu.dot_dimension_numbers<[1], [0], [0], [1], [0, 0, 1, 1], [], []>, transpose_lhs_hint = false} : vector<2048x1xf32>, vector<1x128xf32>, vector<2048x128xf32> -> vector<2048x128xf32>
    %iota3A = tpu.iota {dimensions = array<i32: 1>} : vector<2048x128xi32>
    %jit3A = arith.constant 32 : i32
    %div3A = vector.broadcast %jit3A : i32 to vector<2048x128xi32>
    %div3A_9 = arith.divsi %iota3A, %div3A : vector<2048x128xi32>
    %sign3A = arith.constant 0 : i32
    %sign3A_10 = vector.broadcast %sign3A : i32 to vector<2048x128xi32>
    %sign3A_11 = arith.cmpi sgt, %iota3A, %sign3A_10 : vector<2048x128xi32>
    %sign3A_12 = arith.extui %sign3A_11 : vector<2048x128xi1> to vector<2048x128xi32>
    %sign3A_13 = arith.constant 0 : i32
    %sign3A_14 = vector.broadcast %sign3A_13 : i32 to vector<2048x128xi32>
    %sign3A_15 = arith.cmpi slt, %iota3A, %sign3A_14 : vector<2048x128xi32>
    %sign3A_16 = arith.extui %sign3A_15 : vector<2048x128xi1> to vector<2048x128xi32>
    %sign3A_17 = arith.subi %sign3A_12, %sign3A_16 : vector<2048x128xi32>
    %sign3A_18 = arith.constant 0 : i32
    %sign3A_19 = arith.cmpi sgt, %jit3A, %sign3A_18 : i32
    %sign3A_20 = arith.extui %sign3A_19 : i1 to i32
    %sign3A_21 = arith.constant 0 : i32
    %sign3A_22 = arith.cmpi slt, %jit3A, %sign3A_21 : i32
    %sign3A_23 = arith.extui %sign3A_22 : i1 to i32
    %sign3A_24 = arith.subi %sign3A_20, %sign3A_23 : i32
    %ne3A = vector.broadcast %sign3A_24 : i32 to vector<2048x128xi32>
    %ne3A_25 = arith.cmpi ne, %sign3A_17, %ne3A : vector<2048x128xi32>
    %rem3A = vector.broadcast %jit3A : i32 to vector<2048x128xi32>
    %rem3A_26 = arith.remsi %iota3A, %rem3A : vector<2048x128xi32>
    %ne3A_27 = arith.constant 0 : i32
    %ne3A_28 = vector.broadcast %ne3A_27 : i32 to vector<2048x128xi32>
    %ne3A_29 = arith.cmpi ne, %rem3A_26, %ne3A_28 : vector<2048x128xi32>
    %and3A = arith.andi %ne3A_25, %ne3A_29 : vector<2048x128xi1>
    %sub3A = arith.constant 1 : i32
    %sub3A_30 = vector.broadcast %sub3A : i32 to vector<2048x128xi32>
    %sub3A_31 = arith.subi %div3A_9, %sub3A_30 : vector<2048x128xi32>
    %select_n3A = arith.select %and3A, %sub3A_31, %div3A_9 : vector<2048x128xi1>, vector<2048x128xi32>
    %convert_element_type3A = arith.sitofp %select_n3A : vector<2048x128xi32> to vector<2048x128xf32>
    %get3A_32 = arith.constant 0 : index
    %get3A_33 = arith.constant 0 : index
    %get3A_34 = vector.load %arg1[%get3A_32, %get3A_33] : memref<2048x128xf32, #tpu.memory_space<vmem>>, vector<2048x128xf32>
    %bitcast_convert_type3A = tpu.bitcast %get3A_34 : vector<2048x128xf32> -> vector<2048x128xi32>
    %get3A_35 = arith.constant 0 : index
    %get3A_36 = arith.constant 0 : index
    %get3A_37 = vector.load %arg2[%get3A_35, %get3A_36] : memref<2048x128xf32, #tpu.memory_space<vmem>>, vector<2048x128xf32>
    %bitcast_convert_type3A_38 = tpu.bitcast %get3A_37 : vector<2048x128xf32> -> vector<2048x128xi32>
    %ge3A = arith.constant 4.000000e+00 : f32
    %ge3A_39 = vector.broadcast %ge3A : f32 to vector<2048x128xf32>
    %ge3A_40 = arith.cmpf oge, %dot_general3A_3, %ge3A_39 : vector<2048x128xf32>
    %shift_left3A = arith.constant 16 : i32
    %shift_left3A_41 = vector.broadcast %shift_left3A : i32 to vector<2048x128xi32>
    %shift_left3A_42 = arith.shli %bitcast_convert_type3A, %shift_left3A_41 : vector<2048x128xi32>
    %and3A_43 = arith.constant -65536 : i32
    %and3A_44 = vector.broadcast %and3A_43 : i32 to vector<2048x128xi32>
    %and3A_45 = arith.andi %bitcast_convert_type3A, %and3A_44 : vector<2048x128xi32>
    %select_n3A_46 = arith.select %ge3A_40, %shift_left3A_42, %and3A_45 : vector<2048x128xi1>, vector<2048x128xi32>
    %bitcast_convert_type3A_47 = tpu.bitcast %select_n3A_46 : vector<2048x128xi32> -> vector<2048x128xf32>
    %ge3A_48 = arith.constant 4.000000e+00 : f32
    %ge3A_49 = vector.broadcast %ge3A_48 : f32 to vector<2048x128xf32>
    %ge3A_50 = arith.cmpf oge, %dot_general3A_8, %ge3A_49 : vector<2048x128xf32>
    %shift_left3A_51 = arith.constant 16 : i32
    %shift_left3A_52 = vector.broadcast %shift_left3A_51 : i32 to vector<2048x128xi32>
    %shift_left3A_53 = arith.shli %bitcast_convert_type3A_38, %shift_left3A_52 : vector<2048x128xi32>
    %and3A_54 = arith.constant -65536 : i32
    %and3A_55 = vector.broadcast %and3A_54 : i32 to vector<2048x128xi32>
    %and3A_56 = arith.andi %bitcast_convert_type3A_38, %and3A_55 : vector<2048x128xi32>
    %select_n3A_57 = arith.select %ge3A_50, %shift_left3A_53, %and3A_56 : vector<2048x128xi1>, vector<2048x128xi32>
    %bitcast_convert_type3A_58 = tpu.bitcast %select_n3A_57 : vector<2048x128xi32> -> vector<2048x128xf32>
    %mul3A = arith.constant 2.500000e-01 : f32
    %mul3A_59 = vector.broadcast %mul3A : f32 to vector<2048x128xf32>
    %mul3A_60 = arith.mulf %dot_general3A_3, %mul3A_59 : vector<2048x128xf32>
    %floor3A = math.floor %mul3A_60 : vector<2048x128xf32>
    %mul3A_61 = arith.constant 4.000000e+00 : f32
    %mul3A_62 = vector.broadcast %mul3A_61 : f32 to vector<2048x128xf32>
    %mul3A_63 = arith.mulf %mul3A_62, %floor3A : vector<2048x128xf32>
    %sub3A_64 = arith.subf %dot_general3A_3, %mul3A_63 : vector<2048x128xf32>
    %mul3A_65 = arith.constant 2.500000e-01 : f32
    %mul3A_66 = vector.broadcast %mul3A_65 : f32 to vector<2048x128xf32>
    %mul3A_67 = arith.mulf %dot_general3A_8, %mul3A_66 : vector<2048x128xf32>
    %floor3A_68 = math.floor %mul3A_67 : vector<2048x128xf32>
    %mul3A_69 = arith.constant 4.000000e+00 : f32
    %mul3A_70 = vector.broadcast %mul3A_69 : f32 to vector<2048x128xf32>
    %mul3A_71 = arith.mulf %mul3A_70, %floor3A_68 : vector<2048x128xf32>
    %sub3A_72 = arith.subf %dot_general3A_8, %mul3A_71 : vector<2048x128xf32>
    %eq3A = arith.cmpf oeq, %sub3A_64, %convert_element_type3A : vector<2048x128xf32>
    %jit3A_73 = arith.constant 0.000000e+00 : f32
    %broadcast_in_dim3A_74 = vector.broadcast %jit3A_73 : f32 to vector<2048x128xf32>
    %select_n3A_75 = arith.select %eq3A, %bitcast_convert_type3A_47, %broadcast_in_dim3A_74 : vector<2048x128xi1>, vector<2048x128xf32>
    %eq3A_76 = arith.cmpf oeq, %sub3A_72, %convert_element_type3A : vector<2048x128xf32>
    %jit3A_77 = arith.constant 0.000000e+00 : f32
    %broadcast_in_dim3A_78 = vector.broadcast %jit3A_77 : f32 to vector<2048x128xf32>
    %select_n3A_79 = arith.select %eq3A_76, %bitcast_convert_type3A_58, %broadcast_in_dim3A_78 : vector<2048x128xi1>, vector<2048x128xf32>
    %get3A_80 = arith.constant 0 : index
    %get3A_81 = arith.constant 0 : index
    %get3A_82 = vector.load %arg5[%get3A_80, %get3A_81] : memref<128x128xf32, #tpu.memory_space<vmem>>, vector<128x128xf32>
    %dot_general3A_83 = arith.constant dense<0.000000e+00> : vector<2048x128xf32>
    %dot_general3A_84 = tpu.matmul %select_n3A_75, %get3A_82, %dot_general3A_83 {dimension_numbers = #tpu.dot_dimension_numbers<[1], [1], [0], [0], [0, 0, 1, 0], [], []>, transpose_lhs_hint = false} : vector<2048x128xf32>, vector<128x128xf32>, vector<2048x128xf32> -> vector<2048x128xf32>
    %get3A_85 = arith.constant 0 : index
    %get3A_86 = arith.constant 0 : index
    %get3A_87 = vector.load %arg6[%get3A_85, %get3A_86] : memref<128x128xf32, #tpu.memory_space<vmem>>, vector<128x128xf32>
    %dot_general3A_88 = arith.constant dense<0.000000e+00> : vector<2048x128xf32>
    %dot_general3A_89 = tpu.matmul %select_n3A_79, %get3A_87, %dot_general3A_88 {dimension_numbers = #tpu.dot_dimension_numbers<[1], [1], [0], [0], [0, 0, 1, 0], [], []>, transpose_lhs_hint = false} : vector<2048x128xf32>, vector<128x128xf32>, vector<2048x128xf32> -> vector<2048x128xf32>
    %add3A = arith.addf %dot_general3A_84, %dot_general3A_89 : vector<2048x128xf32>
    %get3A_90 = arith.constant 0 : index
    %get3A_91 = arith.constant 0 : index
    %get3A_92 = vector.load %arg7[%get3A_90, %get3A_91] : memref<1x128xf32, #tpu.memory_space<vmem>>, vector<1x128xf32>
    %add3A_93 = vector.broadcast %get3A_92 : vector<1x128xf32> to vector<2048x128xf32>
    %add3A_94 = arith.addf %add3A, %add3A_93 : vector<2048x128xf32>
    %max3A = arith.constant 0.000000e+00 : f32
    %max3A_95 = vector.broadcast %max3A : f32 to vector<2048x128xf32>
    %max3A_96 = arith.maximumf %add3A_94, %max3A_95 : vector<2048x128xf32>
    %get3A_97 = arith.constant 0 : index
    %get3A_98 = arith.constant 0 : index
    %get3A_99 = vector.load %arg8[%get3A_97, %get3A_98] : memref<128x1xf32, #tpu.memory_space<vmem>>, vector<128x1xf32>
    %dot_general3A_100 = arith.constant dense<0.000000e+00> : vector<2048x1xf32>
    %dot_general3A_101 = tpu.matmul %max3A_96, %get3A_99, %dot_general3A_100 {dimension_numbers = #tpu.dot_dimension_numbers<[1], [0], [0], [1], [0, 0, 1, 1], [], []>, transpose_lhs_hint = false} : vector<2048x128xf32>, vector<128x1xf32>, vector<2048x1xf32> -> vector<2048x1xf32>
    %get3A_102 = arith.constant 0 : index
    %get3A_103 = memref.load %arg9[%get3A_102] : memref<1xf32, #tpu.memory_space<smem>>
    %add3A_104 = vector.broadcast %get3A_103 : f32 to vector<2048x1xf32>
    %add3A_105 = arith.addf %dot_general3A_101, %add3A_104 : vector<2048x1xf32>
    %swap3A = arith.constant 0 : index
    %swap3A_106 = arith.constant 0 : index
    %swap3A_107 = vector.load %arg10[%swap3A, %swap3A_106] : memref<2048x1xf32, #tpu.memory_space<vmem>>, vector<2048x1xf32>
    tpu.vector_store %arg10[%swap3A, %swap3A_106], %add3A_105 {strides = array<i32>} : memref<2048x1xf32, #tpu.memory_space<vmem>>, vector<2048x1xf32>,
    return
  }
  func.func @transform_0(%arg0: i32) -> (i32, i32) {
    %c0_i32 = arith.constant 0 : i32
    %c0_i32_0 = arith.constant 0 : i32
    return %arg0, %c0_i32 : i32, i32
  }
  func.func @transform_1(%arg0: i32) -> (i32, i32) {
    %c0_i32 = arith.constant 0 : i32
    %c0_i32_0 = arith.constant 0 : i32
    return %arg0, %c0_i32 : i32, i32
  }
  func.func @transform_2(%arg0: i32) -> (i32, i32) {
    %c0_i32 = arith.constant 0 : i32
    %c0_i32_0 = arith.constant 0 : i32
    return %arg0, %c0_i32 : i32, i32
  }
  func.func @transform_3(%arg0: i32) -> (i32, i32) {
    %c0_i32 = arith.constant 0 : i32
    %c0_i32_0 = arith.constant 0 : i32
    return %arg0, %c0_i32 : i32, i32
  }
  func.func @transform_4(%arg0: i32) -> (i32, i32) {
    %c0_i32 = arith.constant 0 : i32
    %c0_i32_0 = arith.constant 0 : i32
    %c0_i32_1 = arith.constant 0 : i32
    return %c0_i32, %c0_i32_0 : i32, i32
  }
  func.func @transform_5(%arg0: i32) -> (i32, i32) {
    %c0_i32 = arith.constant 0 : i32
    %c0_i32_0 = arith.constant 0 : i32
    %c0_i32_1 = arith.constant 0 : i32
    return %c0_i32, %c0_i32_0 : i32, i32
  }
  func.func @transform_6(%arg0: i32) -> (i32, i32) {
    %c0_i32 = arith.constant 0 : i32
    %c0_i32_0 = arith.constant 0 : i32
    %c0_i32_1 = arith.constant 0 : i32
    return %c0_i32, %c0_i32_0 : i32, i32
  }
  func.func @transform_7(%arg0: i32) -> (i32, i32) {
    %c0_i32 = arith.constant 0 : i32
    %c0_i32_0 = arith.constant 0 : i32
    %c0_i32_1 = arith.constant 0 : i32
    return %c0_i32, %c0_i32_0 : i32, i32
  }
  func.func @transform_8(%arg0: i32) -> i32 {
    %c0_i32 = arith.constant 0 : i32
    %c0_i32_0 = arith.constant 0 : i32
    return %c0_i32 : i32
  }
  func.func @transform_9(%arg0: i32) -> (i32, i32) {
    %c0_i32 = arith.constant 0 : i32
    %c0_i32_0 = arith.constant 0 : i32
    return %arg0, %c0_i32 : i32, i32
  }
}

</mosaic_0001>

<sc_bundles>
// kernel: kernel.5.cloned.1.call-start
scs
__scs_entry_jumppad:
0x0: {  	(pc) =	sbr.rel $0x88, $3  }
0x1: {  	(tag) =	ssettag $0x0;
	lr =	simm.s32 $0x1  }
0x2: {  	[smem:$0x3F99] =	sst lr;
	_ =	strace $0xD0000000  }
0x3: {  	_ = 	snop  }
0x4: {  	_ = 	snop  }
0x5: {  	_ = 	snop  }
0x6: {  	_ = 	snop  }
0x7: {  	_ = 	snop  }
__scs_overlays_trampoline_lowered:
0x8: {  	[smem:$0x3FA8] =	sst s0  }
0x9: {  	[smem:$0x3FA9] =	sst s1  }
0xa: {  	[smem:$0x3FAA] =	sst s2  }
0xb: {  	[smem:$0x3FAB] =	sst s3  }
0xc: {  	[smem:$0x3FAC] =	sst s4  }
0xd: {  	[smem:$0x3FAD] =	sst s5  }
0xe: {  	[smem:$0x3FAE] =	sst s6  }
0xf: {  	[smem:$0x3FAF] =	sst s7  }
0x10: {  	[smem:$0x3FB0] =	sst s8  }
0x11: {  	[smem:$0x3FB1] =	sst s9;
	s0 =	simm.s32 @!p0 $0x0  }
0x12: {  	s1 =	sld [smem:$0x3F97];
	s0 =	simm.s32 @p0 $0x1  }
0x13: {  	[smem:$0x3FB2] =	sst s0;
	s0 =	simm.s32 @!p1 $0x0  }
0x14: {  	s2 =	sld [smem:$0x3F96];
	s0 =	simm.s32 @p1 $0x1  }
0x15: {  	[smem:$0x3FB3] =	sst s0;
	s0 =	simm.s32 @!p2 $0x0  }
0x16: {  	s3 =	sld [smem:$0x3FDB];
	s0 =	simm.s32 @p2 $0x1  }
0x17: {  	s4 =	simm.s32 $0x1BF5;
	[smem:$0x3FB5] =	sst s0  }
0x18: {  	s0 =	sld [smem:$0x3F98];
	_ =	swait.ge [sflag:s4], $0x0  }
0x19: {  	s7 =	sld [smem:$0x3F99]  }
0x1a: {  	s8 =	sadd.s32 $0xFFFFE003, lr  }
0x1b: {  	s9 =	sadd.s32 $0xFFFFFEF7, lr;
	s5 =	simm.s32 $0xFFFFFFFF;
	p2 =	slt.u32 s8, $0xFFFFF086  }
0x1c: {  	p1 =	slt.u32 s9, $0xF7A;
	s5 =	simm.s32 @!p2 $0x0  }
0x1d: {  	s5 =	simm.s32 @p1 $0x1;
	p0 =	seq.s32 s7, s2  }
0x1e: {  	s7 =	smul.u32 @!p0 $0xF7A, s2;
	p2 =	seq.s32 @!p0 s5, $0x0  }
0x1f: {  	s9 =	smul.u32 $0xF7A, s1;
	s8 =	simm.s32 @!p0 $0x1BF5;
	p2 =	por !p2, p0  }
0x20: {  	[sflag:s8] =	ssyncset.s32 @!p0 $0xFFFFF086;
	s6 =	sadd.s32 @!p0 s3, s7;
	s7 =	simm.s32 @!p0 $0x108  }
0x21: {  	s3 =	sadd.s32 s3, s9;
	s6 =	sadd.s32 @!p0 $0x88, s6;
	s7 =	simm.s32 @p2 $0x1082  }
0x22: {  	[simem:s7], [sflag:s8] =	dma.local @!p0 [hbm:s6], $0xF7A  }
0x23: {  	s9 =	sor.u32 $0xD0000000, s2;
	s6 =	simm.s32 $0x108;
	_ =	swait.ge @!p0 [sflag:s8], $0x0  }
0x24: {  	s3 =	sadd.s32 $0x88, s3;
	s6 =	simm.s32 @!p1 $0x1082;
	[sflag:s4] =	ssyncset.s32 $0xFFFFF086  }
0x25: {  	[simem:s6], [sflag:s4] =	dma.local [hbm:s3], $0xF7A  }
0x26: {  	[smem:$0x3F99] =	sst s1;
	(tag) =	ssettag s2;
	_ =	strace s9  }
0x27: {  	s1 =	sld [smem:$0x3FA9]  }
0x28: {  	s2 =	sld [smem:$0x3FAA]  }
0x29: {  	s4 =	sld [smem:$0x3FAC]  }
0x2a: {  	p0 =	seq.s32 s5, $0x0;
	s5 =	sld [smem:$0x3FAD]  }
0x2b: {  	s6 =	sld [smem:$0x3FAE]  }
0x2c: {  	s7 =	sld [smem:$0x3FAF]  }
0x2d: {  	s3 =	simm.s32 $0x108;
	s8 =	sld [smem:$0x3FB0]  }
0x2e: {  	s3 =	simm.s32 @!p0 $0x1082;
	s9 =	sld [smem:$0x3FB1]  }
0x2f: {  	lr =	sadd.s32 s0, s3;
	s0 =	sld [smem:$0x3FA8]  }
0x30: {  	s3 =	sld [smem:$0x3FAB]  }
0x31: {  	[smem:$0x3FB4] =	sst s10  }
0x32: {  	s10 =	sld [smem:$0x3FB2];
	_ =	sdelay $0x3  }
0x33: {  	p0 =	seq.s32 s10, $0x1;
	s10 =	sld [smem:$0x3FB4];
	_ =	sdelay $0x3  }
0x34: {  	[smem:$0x3FB4] =	sst s10  }
0x35: {  	s10 =	sld [smem:$0x3FB3];
	_ =	sdelay $0x3  }
0x36: {  	p1 =	seq.s32 s10, $0x1;
	s10 =	sld [smem:$0x3FB4];
	_ =	sdelay $0x3  }
0x37: {  	[smem:$0x3FB4] =	sst s10  }
0x38: {  	s10 =	sld [smem:$0x3FB5]  }
0x39: {  	_ = 	snop;
	(pc) =	sbr.ind lr, $3  }
0x3a: {  	_ = 	snop  }
0x3b: {  	_ = 	snop  }
0x3c: {  	p2 =	seq.s32 s10, $0x1;
	s10 =	sld [smem:$0x3FB4]  }
0x3d: {  	_ =	shalt  }
0x3e: {  	_ =	shalt  }
0x3f: {  	_ =	shalt  }
0x40: {  	_ =	shalt  }
0x41: {  	_ =	shalt  }
0x42: {  	_ =	shalt  }
0x43: {  	_ =	shalt  }
0x44: {  	_ =	shalt  }
0x45: {  	_ =	shalt  }
0x46: {  	_ =	shalt  }
0x47: {  	_ =	shalt  }
0x48: {  	_ =	shalt  }
0x49: {  	_ =	shalt  }
0x4a: {  	_ =	shalt  }
0x4b: {  	_ =	shalt  }
0x4c: {  	_ =	shalt  }
0x4d: {  	_ =	shalt  }
0x4e: {  	_ =	shalt  }
0x4f: {  	_ =	shalt  }
0x50: {  	_ =	shalt  }
0x51: {  	_ =	shalt  }
0x52: {  	_ =	shalt  }
0x53: {  	_ =	shalt  }
0x54: {  	_ =	shalt  }
0x55: {  	_ =	shalt  }
0x56: {  	_ =	shalt  }
0x57: {  	_ =	shalt  }
0x58: {  	_ =	shalt  }
0x59: {  	_ =	shalt  }
0x5a: {  	_ =	shalt  }
0x5b: {  	_ =	shalt  }
0x5c: {  	_ =	shalt  }
0x5d: {  	_ =	shalt  }
0x5e: {  	_ =	shalt  }
0x5f: {  	_ =	shalt  }
0x60: {  	_ =	shalt  }
0x61: {  	_ =	shalt  }
0x62: {  	_ =	shalt  }
0x63: {  	_ =	shalt  }
0x64: {  	_ =	shalt  }
0x65: {  	_ =	shalt  }
0x66: {  	_ =	shalt  }
0x67: {  	_ =	shalt  }
0x68: {  	_ =	shalt  }
0x69: {  	_ =	shalt  }
0x6a: {  	_ =	shalt  }
0x6b: {  	_ =	shalt  }
0x6c: {  	_ =	shalt  }
0x6d: {  	_ =	shalt  }
0x6e: {  	_ =	shalt  }
0x6f: {  	_ =	shalt  }
0x70: {  	_ =	shalt  }
0x71: {  	_ =	shalt  }
0x72: {  	_ =	shalt  }
0x73: {  	_ =	shalt  }
0x74: {  	_ =	shalt  }
0x75: {  	_ =	shalt  }
0x76: {  	_ =	shalt  }
0x77: {  	_ =	shalt  }
0x78: {  	_ =	shalt  }
0x79: {  	_ =	shalt  }
0x7a: {  	_ =	shalt  }
0x7b: {  	_ =	shalt  }
0x7c: {  	_ =	shalt  }
0x7d: {  	_ =	shalt  }
0x7e: {  	_ =	shalt  }
0x7f: {  	_ =	shalt  }
0x80: {  	_ =	shalt  }
0x81: {  	_ =	shalt  }
0x82: {  	_ =	shalt  }
0x83: {  	_ =	shalt  }
0x84: {  	_ =	shalt  }
0x85: {  	_ =	shalt  }
0x86: {  	_ =	shalt  }
0x87: {  	_ =	shalt  }
.Lfunc_end0:
.L_simem_size_0:
called_computation_lowered:
.L_overlay_start_0:
0x88: {  	s2 =	sld [smem:$0x3FD9]  }
0x89: {  	s3 =	sld [smem:$0x3FFE];
	_ =	sdelay $0x1  }
0x8a: {  	s1 =	srdreg.scid  }
0x8b: {  	s0 =	sand.u32 $0x1, s1  }
0x8c: {  	s16 =	sshll.u32 s0, $0xA;
	s2 =	sadd.s32 s3, s2  }
0x8d: {  	s2 =	sadd.s32 s2, s16  }
0x8e: {  	[smem:$0x3FC0] =	sst s2  }
0x8f: {  	_ = 	snop  }
0x90: {  	(tm) =	ssettm $0x1  }
0x91: {  	s17 =	sld [smem:$0x3FFB];
	_ =	sdelay $0x3  }
0x92: {  	_ =	strace s17  }
0x93: {  	s2 =	sld [smem:$0x3FFC];
	_ =	sdelay $0x3  }
0x94: {  	_ =	strace s2  }
0x95: {  	s2 =	sld [smem:$0x3FFD];
	_ =	sdelay $0x3  }
0x96: {  	_ =	strace s2  }
0x97: {  	_ =	strace $0x8FFFFFFF  }
0x98: {  	s18 =	sld [smem:$0x3FDB];
	_ =	sdelay $0x1  }
0x99: {  	s19 =	simm.s32 $_scs_section_size  }
0x9a: {  	s4 =	simm.s32 $_size__tile_overlayer_lowered;
	s5 =	simm.s32 $_tile_overlayer_lowered  }
0x9b: {  	s22 =	simm.s32 $0x1BFF;
	s21 =	sshll.u32 s5, $0x1;
	s2 =	sadd.s32 s19, s18  }
0x9c: {  	s6 =	simm.s32 $0x0;
	s20 =	sshll.u32 s4, $0x1;
	s4 =	sadd.s32 s21, s2  }
0x9d: {  	[timem:s6], [sflag:s22] =	dma.local [hbm:s4], s20  }
0x9e: {  	_ =	swait.ge [sflag:s22], s20  }
0x9f: {  	s3 =	ssub.s32 $0x0, s20;
	[sflag:s22] =	ssyncset.done $0x0  }
0xa0: {  	[sflag:s22] =	ssyncadd.s32 s3;
	_ =	sdelay $0x1  }
0xa1: {  	s23 =	simm.s32 $0x1B8B  }
0xa2: {  	_ =	swait.ge [sflag:s23], $0x1  }
0xa3: {  	[sflag:s23] =	ssyncset.done $0x0  }
0xa4: {  	s25 =	simm.s32 $0x1B8E;
	s24 =	sld [smem:$0x3FFE];
	[sflag:s23] =	ssyncadd.s32 $0xFFFFFFFF  }
0xa5: {  	s26 =	simm.s32 $execute0_lowered;
	[smem:$0x3FD2] =	sst s25  }
0xa6: {  	s4 =	sshll.u32 s26, $0x1;
	_ =	strace $0x80000046;
	[dreg:$0x1] =	wrdreg $0xFFFFFFFF  }
0xa7: {  	s28 =	simm.s32 $_size_execute0_lowered;
	s2 =	sadd.s32 s2, s4;
	[dreg:$0x0] =	wrdreg $0x0  }
0xa8: {  	s4 =	sshll.u32 s28, $0x1;
	[dreg:$0x2] =	wrdreg s2  }
0xa9: {  	[dreg:$0x3] =	wrdreg s4  }
0xaa: {  	[dreg:$0x4] =	wrdreg $0xC0  }
0xab: {  	_ =	task [dreg:s6], $0x5FFFF  }
0xac: {  	[dreg:$0x1] =	wrdreg $0xFFFFFFFF  }
0xad: {  	[dreg:$0x0] =	wrdreg $0x60  }
0xae: {  	[dreg:$0x2] =	wrdreg s24  }
0xaf: {  	[dreg:$0x3] =	wrdreg $0x9  }
0xb0: {  	_ =	task.clear_ibuf [dreg:s6], $0x4FFFF;
	_ =	strace $0x90000046  }
0xb1: {  	s29 =	simm.s32 $0x9;
	_ =	strace $0x80000048  }
0xb2: {  	_ =	swait.ge [sflag:s29], $0x1  }
0xb3: {  	[sflag:s29] =	ssyncadd.s32 $0xFFFFFFFF  }
0xb4: {  	_ =	strace $0x90000048  }
0xb5: {  	_ =	sfence  }
0xb6: {  	s30 =	sld [smem:$0x0];
	_ =	sdelay $0x2  }
0xb7: {  	s31 =	sshll.u32 s1, $0xD;
	s1 =	sshrl.u32 s1, $0x2  }
0xb8: {  	s3 =	sand.u32 $0x4000, s31;
	s1 =	sadd.s32 s1, s30  }
0xb9: {  	s0 =	sor.u32 s3, s0;
	s1 =	sshll.u32 s1, $0x11  }
0xba: {  	s0 =	sor.u32 s1, s0  }
0xbb: {  	s0 =	sadd.s32 $0x8F2B, s0  }
0xbc: {  	[sflag:s0] =	ssyncadd.remote.s32 $0x1  }
0xbd: {  	_ =	sfence.sel $0xFFFF  }
0xbe: {  	[dreg:$0x0] =	wrdreg $0xFFFFFFFF;
	(pc) =	sbr.abs _section_cstart, $3  }
0xbf: {  	[dreg:$0x1] =	wrdreg $0xFFFFFFFF  }
0xc0: {  	_ =	task.clear_ibuf [dreg:s6], $0x2FFFF;
	_ =	strace $0x9FFFFFFF  }
0xc1: {  	(tm) =	ssettm $0x7FFFFFFF  }
tec
execute0_lowered:
.L_overlay_start_1:
0x0: {  	(tag) =	ssettag $0x1  }
0x1: {  	s1 =	srdreg.scid  }
0x2: {  	s0 =	stileid.u32;
	s30 =	sand.u32 $0x1, s1  }
0x3: {  	s26 =	sshll.u32 s0, $0xA;
	s2 =	sshll.u32 s30, $0x9  }
0x4: {  	s16 =	sor.u32 s2, s26  }
0x5: {  	s25 =	rddreg [dreg:$0x0];
	s2 =	simm.s32 $0x0;
	s3 =	sshrl.u32 s16, $0x3  }
0x6: {  	[smem:$0x7FF] =	sst s2;
	s5 =	sadd.s32 s3, s25  }
0x7: {  	s4 =	simm.s32 $0x3;
	_ =	strace $0x80000047;
	s3 =	sadd.s32 $0x1800, s5  }
0x8: {  	[tilespmem:s2], [sflag:$0x3] =	stream.linear.gather [hbm4b:s3+s2], $0x200, $0x38;
	[tilespmem:$0x10400] =	vst v63  }
0x9: {  	_ =	swait.ge [sflag:s4], $0x200  }
0xa: {  	[sflag:s4] =	ssyncset.done $0x0  }
0xb: {  	s6 =	simm.s32 $0x200;
	s5 =	sadd.s32 $0x2800, s5;
	[sflag:s4] =	ssyncadd.s32 $0xFFFFFE00  }
0xc: {  	[tilespmem:s6], [sflag:$0x3] =	stream.linear.gather [hbm4b:s5+s2], $0x200, $0x38;
	[tilespmem:$0x10400] =	vst v63  }
0xd: {  	_ =	swait.ge [sflag:s4], $0x200  }
0xe: {  	s8 =	simm.s32 $0x80;
	[sflag:s4] =	ssyncset.done $0x0  }
0xf: {  	s9 =	simm.s32 $0x400;
	s7 =	sadd.s32 $0x3000, s25;
	[sflag:s4] =	ssyncadd.s32 $0xFFFFFE00  }
0x10: {  	[tilespmem:s9], [sflag:$0x1] =	stream.indirect.gather [hbm4b:s7+s8], $0x80, s2, s8, $0xb8;
	[tilespmem:$0x10400] =	vst v63  }
0x11: {  	s10 =	simm.s32 $0x4400  }
0x12: {  	[tilespmem:s10], [sflag:$0x1] =	stream.indirect.gather [hbm4b:s7+s8], $0x80, s8, s8, $0xb8;
	[tilespmem:$0x10400] =	vst v63  }
0x13: {  	s11 =	simm.s32 $0x100;
	s12 =	simm.s32 $0x8400  }
0x14: {  	[tilespmem:s12], [sflag:$0x1] =	stream.indirect.gather [hbm4b:s7+s8], $0x80, s11, s8, $0xb8;
	[tilespmem:$0x10400] =	vst v63  }
0x15: {  	s13 =	simm.s32 $0x180;
	s14 =	simm.s32 $0xC400;
	s15 =	simm.s32 $0x1  }
0x16: {  	[tilespmem:s14], [sflag:$0x1] =	stream.indirect.gather [hbm4b:s7+s8], $0x80, s13, s8, $0xb8;
	[tilespmem:$0x10400] =	vst v63  }
0x17: {  	_ =	swait.ge [sflag:s15], $0x4000  }
0x18: {  	[sflag:s15] =	ssyncset.done $0x0  }
0x19: {  	[sflag:s15] =	ssyncadd.s32 $0xFFFFC000  }
0x1a: {  	_ =	swait.ge [sflag:s15], $0x4000  }
0x1b: {  	[sflag:s15] =	ssyncset.done $0x0  }
0x1c: {  	[sflag:s15] =	ssyncadd.s32 $0xFFFFC000  }
0x1d: {  	_ =	swait.ge [sflag:s15], $0x4000  }
0x1e: {  	[sflag:s15] =	ssyncset.done $0x0  }
0x1f: {  	[sflag:s15] =	ssyncadd.s32 $0xFFFFC000  }
0x20: {  	_ =	swait.ge [sflag:s15], $0x4000  }
0x21: {  	s19 =	sadd.s32 $0x403000, s25;
	s26 =	sshll.u32 s16, $0x4;
	[sflag:s15] =	ssyncset.done $0x0  }
0x22: {  	s16 =	sadd.s32 s19, s26;
	s28 =	sor.u32 $0x800, s26;
	[sflag:s15] =	ssyncadd.s32 $0xFFFFC000  }
0x23: {  	[hbm4b:s16+s2] =	stream.linear.scatter [tilespmem:s9], [sflag:$0x2], $0x4000, $0x38;
	[tilespmem:$0x10400] =	vst v63  }
0x24: {  	s29 =	sor.u32 $0x1000, s26;
	s17 =	sadd.s32 s19, s28  }
0x25: {  	[hbm4b:s17+s2] =	stream.linear.scatter [tilespmem:s10], [sflag:$0x2], $0x4000, $0x38;
	[tilespmem:$0x10400] =	vst v63  }
0x26: {  	s31 =	sor.u32 $0x1800, s26;
	s18 =	sadd.s32 s19, s29  }
0x27: {  	[hbm4b:s18+s2] =	stream.linear.scatter [tilespmem:s12], [sflag:$0x2], $0x4000, $0x38;
	[tilespmem:$0x10400] =	vst v63  }
0x28: {  	s20 =	simm.s32 $0x2;
	s19 =	sadd.s32 s19, s31  }
0x29: {  	[hbm4b:s19+s2] =	stream.linear.scatter [tilespmem:s14], [sflag:$0x2], $0x4000, $0x38;
	[tilespmem:$0x10400] =	vst v63  }
0x2a: {  	_ =	swait.ge [sflag:s20], $0x4000  }
0x2b: {  	[sflag:s20] =	ssyncset.done $0x0  }
0x2c: {  	[sflag:s20] =	ssyncadd.s32 $0xFFFFC000  }
0x2d: {  	_ =	swait.ge [sflag:s20], $0x4000  }
0x2e: {  	[sflag:s20] =	ssyncset.done $0x0  }
0x2f: {  	[sflag:s20] =	ssyncadd.s32 $0xFFFFC000  }
0x30: {  	_ =	swait.ge [sflag:s20], $0x4000  }
0x31: {  	[sflag:s20] =	ssyncset.done $0x0  }
0x32: {  	[sflag:s20] =	ssyncadd.s32 $0xFFFFC000  }
0x33: {  	_ =	swait.ge [sflag:s20], $0x4000  }
0x34: {  	[sflag:s20] =	ssyncset.done $0x0  }
0x35: {  	s21 =	sadd.s32 $0x203000, s25;
	[sflag:s20] =	ssyncadd.s32 $0xFFFFC000  }
0x36: {  	[tilespmem:s9], [sflag:$0x1] =	stream.indirect.gather [hbm4b:s21+s8], $0x80, s6, s8, $0xb8;
	[tilespmem:$0x10400] =	vst v63  }
0x37: {  	s22 =	simm.s32 $0x280  }
0x38: {  	[tilespmem:s10], [sflag:$0x1] =	stream.indirect.gather [hbm4b:s21+s8], $0x80, s22, s8, $0xb8;
	[tilespmem:$0x10400] =	vst v63  }
0x39: {  	s23 =	simm.s32 $0x300  }
0x3a: {  	[tilespmem:s12], [sflag:$0x1] =	stream.indirect.gather [hbm4b:s21+s8], $0x80, s23, s8, $0xb8;
	[tilespmem:$0x10400] =	vst v63  }
0x3b: {  	s24 =	simm.s32 $0x380  }
0x3c: {  	[tilespmem:s14], [sflag:$0x1] =	stream.indirect.gather [hbm4b:s21+s8], $0x80, s24, s8, $0xb8;
	[tilespmem:$0x10400] =	vst v63  }
0x3d: {  	_ =	swait.ge [sflag:s15], $0x4000  }
0x3e: {  	[sflag:s15] =	ssyncset.done $0x0  }
0x3f: {  	[sflag:s15] =	ssyncadd.s32 $0xFFFFC000  }
0x40: {  	_ =	swait.ge [sflag:s15], $0x4000  }
0x41: {  	[sflag:s15] =	ssyncset.done $0x0  }
0x42: {  	[sflag:s15] =	ssyncadd.s32 $0xFFFFC000  }
0x43: {  	_ =	swait.ge [sflag:s15], $0x4000  }
0x44: {  	[sflag:s15] =	ssyncset.done $0x0  }
0x45: {  	[sflag:s15] =	ssyncadd.s32 $0xFFFFC000  }
0x46: {  	_ =	swait.ge [sflag:s15], $0x4000  }
0x47: {  	s1 =	sadd.s32 $0x443000, s25;
	[sflag:s15] =	ssyncset.done $0x0  }
0x48: {  	s25 =	sadd.s32 s1, s26;
	[sflag:s15] =	ssyncadd.s32 $0xFFFFC000  }
0x49: {  	[hbm4b:s25+s2] =	stream.linear.scatter [tilespmem:s9], [sflag:$0x2], $0x4000, $0x38;
	[tilespmem:$0x10400] =	vst v63  }
0x4a: {  	s26 =	sadd.s32 s1, s28  }
0x4b: {  	[hbm4b:s26+s2] =	stream.linear.scatter [tilespmem:s10], [sflag:$0x2], $0x4000, $0x38;
	[tilespmem:$0x10400] =	vst v63  }
0x4c: {  	s28 =	sadd.s32 s1, s29  }
0x4d: {  	[hbm4b:s28+s2] =	stream.linear.scatter [tilespmem:s12], [sflag:$0x2], $0x4000, $0x38;
	[tilespmem:$0x10400] =	vst v63  }
0x4e: {  	s29 =	sadd.s32 s1, s31  }
0x4f: {  	[hbm4b:s29+s2] =	stream.linear.scatter [tilespmem:s14], [sflag:$0x2], $0x4000, $0x38;
	[tilespmem:$0x10400] =	vst v63  }
0x50: {  	_ =	swait.ge [sflag:s20], $0x4000  }
0x51: {  	s31 =	ssub.s32 $0x2, s30;
	[sflag:s20] =	ssyncset.done $0x0  }
0x52: {  	s30 =	sshrl.u32 s31, $0x1;
	[sflag:s20] =	ssyncadd.s32 $0xFFFFC000  }
0x53: {  	s1 =	ssub.s32 s31, s30;
	_ =	swait.ge [sflag:s20], $0x4000  }
0x54: {  	s1 =	smax.u32 s1, $0x1;
	[sflag:s20] =	ssyncset.done $0x0  }
0x55: {  	p0 =	sne.s32 s1, $0x1;
	[sflag:s20] =	ssyncadd.s32 $0xFFFFC000  }
.Ltmp0:
0x56: {  	_ =	swait.ge [sflag:s20], $0x4000;
	(pc) =	sbr.rel @!p0 .LBB2_2-.Ltmp0, $4  }
0x57: {  	[sflag:s20] =	ssyncset.done $0x0  }
0x58: {  	[sflag:s20] =	ssyncadd.s32 $0xFFFFC000  }
0x59: {  	_ =	swait.ge [sflag:s20], $0x4000  }
0x5a: {  	s30 =	sadd.s32 $0xFFFFFFFF, s1;
	[sflag:s20] =	ssyncset.done $0x0  }
.LBB2_1:
0x5b: {  	p0 =	sne.s32 s30, $0x1;
	s30 =	sadd.s32 $0xFFFFFFFF, s30;
	[sflag:s20] =	ssyncadd.s32 $0xFFFFC000  }
0x5c: {  	[tilespmem:s2], [sflag:$0x3] =	stream.linear.gather [hbm4b:s3+s2], $0x200, $0x38;
	[tilespmem:$0x10400] =	vst v63  }
0x5d: {  	_ =	swait.ge [sflag:s4], $0x200  }
0x5e: {  	[sflag:s4] =	ssyncset.done $0x0  }
0x5f: {  	[sflag:s4] =	ssyncadd.s32 $0xFFFFFE00  }
0x60: {  	[tilespmem:s6], [sflag:$0x3] =	stream.linear.gather [hbm4b:s5+s2], $0x200, $0x38;
	[tilespmem:$0x10400] =	vst v63  }
0x61: {  	_ =	swait.ge [sflag:s4], $0x200  }
0x62: {  	[sflag:s4] =	ssyncset.done $0x0  }
0x63: {  	[sflag:s4] =	ssyncadd.s32 $0xFFFFFE00  }
0x64: {  	[tilespmem:s9], [sflag:$0x1] =	stream.indirect.gather [hbm4b:s7+s8], $0x80, s2, s8, $0xb8;
	[tilespmem:$0x10400] =	vst v63  }
0x65: {  	_ = 	snop  }
0x66: {  	[tilespmem:s10], [sflag:$0x1] =	stream.indirect.gather [hbm4b:s7+s8], $0x80, s8, s8, $0xb8;
	[tilespmem:$0x10400] =	vst v63  }
0x67: {  	_ = 	snop  }
0x68: {  	[tilespmem:s12], [sflag:$0x1] =	stream.indirect.gather [hbm4b:s7+s8], $0x80, s11, s8, $0xb8;
	[tilespmem:$0x10400] =	vst v63  }
0x69: {  	_ = 	snop  }
0x6a: {  	[tilespmem:s14], [sflag:$0x1] =	stream.indirect.gather [hbm4b:s7+s8], $0x80, s13, s8, $0xb8;
	[tilespmem:$0x10400] =	vst v63  }
0x6b: {  	_ =	swait.ge [sflag:s15], $0x4000  }
0x6c: {  	[sflag:s15] =	ssyncset.done $0x0  }
0x6d: {  	[sflag:s15] =	ssyncadd.s32 $0xFFFFC000  }
0x6e: {  	_ =	swait.ge [sflag:s15], $0x4000  }
0x6f: {  	[sflag:s15] =	ssyncset.done $0x0  }
0x70: {  	[sflag:s15] =	ssyncadd.s32 $0xFFFFC000  }
0x71: {  	_ =	swait.ge [sflag:s15], $0x4000  }
0x72: {  	[sflag:s15] =	ssyncset.done $0x0  }
0x73: {  	[sflag:s15] =	ssyncadd.s32 $0xFFFFC000  }
0x74: {  	_ =	swait.ge [sflag:s15], $0x4000  }
0x75: {  	[sflag:s15] =	ssyncset.done $0x0  }
0x76: {  	[sflag:s15] =	ssyncadd.s32 $0xFFFFC000  }
0x77: {  	[hbm4b:s16+s2] =	stream.linear.scatter [tilespmem:s9], [sflag:$0x2], $0x4000, $0x38;
	[tilespmem:$0x10400] =	vst v63  }
0x78: {  	_ = 	snop  }
0x79: {  	[hbm4b:s17+s2] =	stream.linear.scatter [tilespmem:s10], [sflag:$0x2], $0x4000, $0x38;
	[tilespmem:$0x10400] =	vst v63  }
0x7a: {  	_ = 	snop  }
0x7b: {  	[hbm4b:s18+s2] =	stream.linear.scatter [tilespmem:s12], [sflag:$0x2], $0x4000, $0x38;
	[tilespmem:$0x10400] =	vst v63  }
0x7c: {  	_ = 	snop  }
0x7d: {  	[hbm4b:s19+s2] =	stream.linear.scatter [tilespmem:s14], [sflag:$0x2], $0x4000, $0x38;
	[tilespmem:$0x10400] =	vst v63  }
0x7e: {  	_ =	swait.ge [sflag:s20], $0x4000  }
0x7f: {  	[sflag:s20] =	ssyncset.done $0x0  }
0x80: {  	[sflag:s20] =	ssyncadd.s32 $0xFFFFC000  }
0x81: {  	_ =	swait.ge [sflag:s20], $0x4000  }
0x82: {  	[sflag:s20] =	ssyncset.done $0x0  }
0x83: {  	[sflag:s20] =	ssyncadd.s32 $0xFFFFC000  }
0x84: {  	_ =	swait.ge [sflag:s20], $0x4000  }
0x85: {  	[sflag:s20] =	ssyncset.done $0x0  }
0x86: {  	[sflag:s20] =	ssyncadd.s32 $0xFFFFC000  }
0x87: {  	_ =	swait.ge [sflag:s20], $0x4000  }
0x88: {  	[sflag:s20] =	ssyncset.done $0x0  }
0x89: {  	[sflag:s20] =	ssyncadd.s32 $0xFFFFC000  }
0x8a: {  	[tilespmem:s9], [sflag:$0x1] =	stream.indirect.gather [hbm4b:s21+s8], $0x80, s6, s8, $0xb8;
	[tilespmem:$0x10400] =	vst v63  }
0x8b: {  	_ = 	snop  }
0x8c: {  	[tilespmem:s10], [sflag:$0x1] =	stream.indirect.gather [hbm4b:s21+s8], $0x80, s22, s8, $0xb8;
	[tilespmem:$0x10400] =	vst v63  }
0x8d: {  	_ = 	snop  }
0x8e: {  	[tilespmem:s12], [sflag:$0x1] =	stream.indirect.gather [hbm4b:s21+s8], $0x80, s23, s8, $0xb8;
	[tilespmem:$0x10400] =	vst v63  }
0x8f: {  	_ = 	snop  }
0x90: {  	[tilespmem:s14], [sflag:$0x1] =	stream.indirect.gather [hbm4b:s21+s8], $0x80, s24, s8, $0xb8;
	[tilespmem:$0x10400] =	vst v63  }
0x91: {  	_ =	swait.ge [sflag:s15], $0x4000  }
0x92: {  	[sflag:s15] =	ssyncset.done $0x0  }
0x93: {  	[sflag:s15] =	ssyncadd.s32 $0xFFFFC000  }
0x94: {  	_ =	swait.ge [sflag:s15], $0x4000  }
0x95: {  	[sflag:s15] =	ssyncset.done $0x0  }
0x96: {  	[sflag:s15] =	ssyncadd.s32 $0xFFFFC000  }
0x97: {  	_ =	swait.ge [sflag:s15], $0x4000  }
0x98: {  	[sflag:s15] =	ssyncset.done $0x0  }
0x99: {  	[sflag:s15] =	ssyncadd.s32 $0xFFFFC000  }
0x9a: {  	_ =	swait.ge [sflag:s15], $0x4000  }
0x9b: {  	[sflag:s15] =	ssyncset.done $0x0  }
0x9c: {  	[sflag:s15] =	ssyncadd.s32 $0xFFFFC000  }
0x9d: {  	[hbm4b:s25+s2] =	stream.linear.scatter [tilespmem:s9], [sflag:$0x2], $0x4000, $0x38;
	[tilespmem:$0x10400] =	vst v63  }
0x9e: {  	_ = 	snop  }
0x9f: {  	[hbm4b:s26+s2] =	stream.linear.scatter [tilespmem:s10], [sflag:$0x2], $0x4000, $0x38;
	[tilespmem:$0x10400] =	vst v63  }
0xa0: {  	_ = 	snop  }
0xa1: {  	[hbm4b:s28+s2] =	stream.linear.scatter [tilespmem:s12], [sflag:$0x2], $0x4000, $0x38;
	[tilespmem:$0x10400] =	vst v63  }
0xa2: {  	_ = 	snop  }
0xa3: {  	[hbm4b:s29+s2] =	stream.linear.scatter [tilespmem:s14], [sflag:$0x2], $0x4000, $0x38;
	[tilespmem:$0x10400] =	vst v63  }
0xa4: {  	_ =	swait.ge [sflag:s20], $0x4000  }
0xa5: {  	[sflag:s20] =	ssyncset.done $0x0  }
0xa6: {  	[sflag:s20] =	ssyncadd.s32 $0xFFFFC000  }
0xa7: {  	_ =	swait.ge [sflag:s20], $0x4000  }
0xa8: {  	[sflag:s20] =	ssyncset.done $0x0  }
0xa9: {  	[sflag:s20] =	ssyncadd.s32 $0xFFFFC000  }
.Ltmp1:
0xaa: {  	_ =	swait.ge [sflag:s20], $0x4000;
	(pc) =	sbr.rel @p0 .LBB2_1-.Ltmp1, $4  }
0xab: {  	[sflag:s20] =	ssyncset.done $0x0  }
0xac: {  	[sflag:s20] =	ssyncadd.s32 $0xFFFFC000  }
0xad: {  	_ =	swait.ge [sflag:s20], $0x4000  }
0xae: {  	[sflag:s20] =	ssyncset.done $0x0  }
.LBB2_2:
0xaf: {  	[sflag:s20] =	ssyncadd.s32 $0xFFFFC000  }
0xb0: {  	_ =	sfence.sel $0x180000  }
0xb1: {  	[bflag:$0x0] =	sbarrier.arrive $0xFFFF  }
0xb2: {  	_ =	strace $0x90000047  }
0xb3: {  	[bflag:$0x2] =	sbarrier.arrive $0xFFFF  }
0xb4: {  	p0 =	sne.s32 s0, $0x0;
	s0 =	rddreg [dreg:$0x1]  }
0xb5: {  	s0 =	sadd.s32 @!p0 $0x100000, s0  }
0xb6: {  	[sflag:s0] =	ssyncadd.tile.s32 @!p0 $0x1;
	_ =	shalt  }
.Lfunc_end2:
_tile_overlayer_lowered:
.L_overlay_start_2:
0xb7: {  	(tag) =	ssettag $0x2  }
0xb8: {  	s0 =	rddreg [dreg:$0x0];
	s2 =	stileid.u32  }
0xb9: {  	s1 =	rddreg [dreg:$0x1];
	p0 =	sne.s32 s2, $0x0  }
0xba: {  	s3 =	rddreg [dreg:$0x2];
	[bflag:$0x3] =	sbarrier.arrive $0xFFFF;
	s2 =	simm.s32 @!p0 $0x1C03  }
0xbb: {  	[timem:s3], [sflag:s2] =	dma.local @!p0 [hbm:s0], s1  }
0xbc: {  	s0 =	simm.s32 @!p0 $0x3  }
0xbd: {  	_ =	swait.ge @!p0 [sflag:s0], s1  }
0xbe: {  	s1 =	ssub.s32 @!p0 $0x0, s1;
	[sflag:s0] =	ssyncset.done @!p0 $0x0  }
0xbf: {  	[sflag:s0] =	ssyncadd.s32 @!p0 s1  }
0xc0: {  	[bflag:$0x3] =	sbarrier.arrive $0xFFFF  }
0xc1: {  	_ =	shalt  }

</sc_bundles>
